<compile_context>
chip_gen: v7x
topology: tpu7x:2x2x1
jax: 0.10.2.dev20260603
libtpu: 0.0.44.dev20260713+nightly
codegen_flags: <defaults>
</compile_context>

<pallas_src>
import jax
import jax.numpy as jnp
from jax import lax
from jax.experimental import pallas as pl
from jax.experimental.pallas import tpu as pltpu
from jax.experimental.pallas import tpu_sc as plsc

_N = 10000
_D = 256
_E = 160000
_H = 128
_NS = 16
_NC = 2
_K = 64
_CHUNKS = 160
_CPG = 16
_NG = _CHUNKS // _CPG
_EPT = _K * _CHUNKS
_EPAD = _EPT * _NS
_ROWS_SH = 10112
_RPT = _ROWS_SH // _NS
_TRASH = _N
_MBLK = 1000


def _matmul_body(x_ref, w1_ref, w2_ref, b1_ref,
                 x2a_ref, x2b_ref, da_ref, db_ref):
    xb = x_ref[...]
    w1 = w1_ref[...]
    w2 = w2_ref[...]
    dn = (((1,), (1,)), ((), ()))
    x2 = lax.dot_general(xb, w2, dn, preferred_element_type=jnp.float32)
    d = lax.dot_general(xb, w1 - w2, dn, preferred_element_type=jnp.float32)
    d = d + b1_ref[...]
    x2a_ref[...] = x2[:, :_H]
    x2b_ref[...] = x2[:, _H:]
    da_ref[...] = d[:, :_H]
    db_ref[...] = d[:, _H:]


def _matmuls(x, W1, b1, W2):
    f32 = jnp.float32
    half = pl.BlockSpec((_MBLK, _H), lambda i: (i, 0))
    return pl.pallas_call(
        _matmul_body,
        grid=(_N // _MBLK,),
        in_specs=[
            pl.BlockSpec((_MBLK, _D), lambda i: (i, 0)),
            pl.BlockSpec((_D, _D), lambda i: (0, 0)),
            pl.BlockSpec((_D, _D), lambda i: (0, 0)),
            pl.BlockSpec((1, _D), lambda i: (0, 0)),
        ],
        out_specs=[half, half, half, half],
        out_shape=[jax.ShapeDtypeStruct((_N, _H), f32)] * 4,
    )(x, W1, W2, b1.reshape(1, _D))


def _sc_body(x2a, x2b, da, db, row4d, rowg4d, col4d, z128,
             acc_out,
             acc_sh, row_g, rowg_g, col_g,
             gbuf0, gbuf1, dbuf0, dbuf1,
             sem, semd, ssx0, ssx1, ssd0, ssd1):
    c = lax.axis_index("c")
    s = lax.axis_index("s")
    base = s * _RPT

    pltpu.sync_copy(z128.at[pl.ds(base, _RPT)], acc_sh.at[pl.ds(base, _RPT)])
    plsc.subcore_barrier()

    gb = (gbuf0, gbuf1)
    db_ = (dbuf0, dbuf1)
    sx = (ssx0, ssx1)
    sd = (ssd0, ssd1)

    def edge_phase(srcx, srcd):
        def grp_body(gi, carry):
            pltpu.sync_copy(row4d.at[s, gi], row_g)
            pltpu.sync_copy(rowg4d.at[s, gi], rowg_g)
            pltpu.sync_copy(col4d.at[s, gi], col_g)
            prime = (gi == 0)

            def pair_body(pj, carry2):
                for b in range(2):
                    j = pj * 2 + b

                    @pl.when(jnp.logical_not(prime & (pj == 0)))
                    def _():
                        pltpu.make_async_copy(
                            gb[b], acc_sh.at[row_g.at[j]], sx[b]).wait()
                        pltpu.make_async_copy(
                            db_[b], acc_sh.at[row_g.at[j]], sd[b]).wait()

                    cpx = pltpu.async_copy(srcx.at[col_g.at[j]], gb[b], sem)
                    cpd = pltpu.async_copy(srcd.at[rowg_g.at[j]], db_[b], semd)
                    cpx.wait()
                    cpd.wait()
                    pltpu.async_copy(gb[b], acc_sh.at[row_g.at[j]], sx[b],
                                     add=True)
                    pltpu.async_copy(db_[b], acc_sh.at[row_g.at[j]], sd[b],
                                     add=True)
                return carry2

            lax.fori_loop(0, _CPG // 2, pair_body, 0)
            return carry

        lax.fori_loop(0, _NG, grp_body, 0)
        for b in range(2):
            pltpu.make_async_copy(gb[b], acc_sh.at[row_g.at[0]], sx[b]).wait()
            pltpu.make_async_copy(db_[b], acc_sh.at[row_g.at[0]], sd[b]).wait()

    @pl.when(c == 0)
    def _():
        edge_phase(x2a, da)

    @pl.when(c == 1)
    def _():
        edge_phase(x2b, db)

    plsc.subcore_barrier()

    def writeback(nrows):
        @pl.when(c == 0)
        def _():
            pltpu.sync_copy(acc_sh.at[pl.ds(base, nrows)],
                            acc_out.at[pl.ds(base, nrows), pl.ds(0, _H)])

        @pl.when(c == 1)
        def _():
            pltpu.sync_copy(acc_sh.at[pl.ds(base, nrows)],
                            acc_out.at[pl.ds(base, nrows), pl.ds(_H, _H)])

    @pl.when(s < _NS - 1)
    def _():
        writeback(_RPT)

    @pl.when(s == _NS - 1)
    def _():
        writeback(_N - (_NS - 1) * _RPT)


def _sc_scatter(x2a, x2b, da, db, row4d, rowg4d, col4d):
    f32 = jnp.float32
    mesh = plsc.VectorSubcoreMesh(core_axis_name="c", subcore_axis_name="s")
    kern = pl.kernel(
        _sc_body,
        out_type=[
            jax.ShapeDtypeStruct((_N, _D), f32),
        ],
        mesh=mesh,
        scratch_types=[
            pltpu.VMEM_SHARED((_ROWS_SH, _H), f32),
            pltpu.VMEM((_CPG, _K), jnp.int32),
            pltpu.VMEM((_CPG, _K), jnp.int32),
            pltpu.VMEM((_CPG, _K), jnp.int32),
            pltpu.VMEM((_K, _H), f32),
            pltpu.VMEM((_K, _H), f32),
            pltpu.VMEM((_K, _H), f32),
            pltpu.VMEM((_K, _H), f32),
            pltpu.SemaphoreType.DMA,
            pltpu.SemaphoreType.DMA,
            pltpu.SemaphoreType.DMA,
            pltpu.SemaphoreType.DMA,
            pltpu.SemaphoreType.DMA,
            pltpu.SemaphoreType.DMA,
        ],
    )
    z128 = jnp.zeros((_ROWS_SH, _H), f32)
    return kern(x2a, x2b, da, db, row4d, rowg4d, col4d, z128)[0]


def kernel(x, edge_index, W1, b1, W2):
    x2a, x2b, da, db = _matmuls(x, W1, b1, W2)
    row = edge_index[0].astype(jnp.int32)
    col = edge_index[1].astype(jnp.int32)
    pad = _EPAD - _E
    zpad = jnp.zeros((pad,), jnp.int32)
    shp = (_NS, _NG, _CPG, _K)
    row4d = jnp.concatenate(
        [row, jnp.full((pad,), _TRASH, jnp.int32)]).reshape(shp)
    rowg4d = jnp.concatenate([row, zpad]).reshape(shp)
    col4d = jnp.concatenate([col, zpad]).reshape(shp)
    return _sc_scatter(x2a, x2b, da, db, row4d, rowg4d, col4d)

# --- scband reference (transcript-rebuilt; emitter-appended) ---
"""Pipeline reference for scband-eff-sparse-edge-conv-79199196938680 (READ-ONLY COPY).

The authoritative reference and input builder live on the scoring server;
editing this copy changes nothing except your own understanding.
"""

import jax, jax.numpy as jnp
import numpy as np

N = 10000
E = 160000
D = 256
OUT = 256


def setup_inputs(seed: int = 0) -> dict:
    key = jax.random.key(seed)
    k1, k2, k3, k4, k5, k6 = jax.random.split(key, 6)
    x = jax.random.normal(k1, (N, D), dtype=jnp.float32)
    edge_index = jax.random.randint(k2, (2, E), 0, N)
    s = 1.0 / np.sqrt(D)
    W1 = jax.random.uniform(k3, (OUT, D), minval=-s, maxval=s, dtype=jnp.float32)
    b1 = jax.random.uniform(k4, (OUT,), minval=-s, maxval=s, dtype=jnp.float32)
    W2 = jax.random.uniform(k5, (OUT, D), minval=-s, maxval=s, dtype=jnp.float32)
    return {"x": x, "edge_index": edge_index, "W1": W1, "b1": b1, "W2": W2}


def reference(x, edge_index, W1, b1, W2):
    # edge_index encodes sparse adjacency A with A[row, col] = 1
    # torch.sparse.mm(A, y) sums y over columns (sources) into rows (destinations)
    row = edge_index[0]
    col = edge_index[1]
    # num_neighbors = A @ ones([N,1]) = out-degree per row
    num_neighbors = jax.ops.segment_sum(jnp.ones((E,), dtype=x.dtype), row, num_segments=N)[:, None]
    x1 = x @ W1.T + b1
    x2 = x @ W2.T
    # aggr == 'add' branch (default; 'max' is remapped to 'add' in __init__)
    x_i = (x1 - x2) * num_neighbors
    x_j = jax.ops.segment_sum(x2[col], row, num_segments=N)
    return x_i + x_j

if __name__ == "__main__":
    import jax
    _d = setup_inputs()
    print(jax.jit(kernel)(*tuple(_d.values())))

</pallas_src>

<mosaic_0001>
#map = affine_map<(d0, d1) -> (0, 0)>
#map1 = affine_map<(d0, d1) -> (0, 0, 0, 0)>
module attributes {stable_mosaic.version = 14 : i64} {
  func.func @_sc_body(%arg0: i32, %arg1: i32, %arg2: memref<10000x128xf32, #tpu.memory_space<hbm>>, %arg3: memref<10000x128xf32, #tpu.memory_space<hbm>>, %arg4: memref<10000x128xf32, #tpu.memory_space<hbm>>, %arg5: memref<10000x128xf32, #tpu.memory_space<hbm>>, %arg6: memref<16x10x16x64xi32, #tpu.memory_space<hbm>>, %arg7: memref<16x10x16x64xi32, #tpu.memory_space<hbm>>, %arg8: memref<16x10x16x64xi32, #tpu.memory_space<hbm>>, %arg9: memref<10112x128xf32, #tpu.memory_space<hbm>>, %arg10: memref<10000x256xf32, #tpu.memory_space<hbm>>, %arg11: memref<10112x128xf32, #tpu.memory_space<vmem_shared>>, %arg12: memref<16x64xi32, #tpu.memory_space<vmem>>, %arg13: memref<16x64xi32, #tpu.memory_space<vmem>>, %arg14: memref<16x64xi32, #tpu.memory_space<vmem>>, %arg15: memref<64x128xf32, #tpu.memory_space<vmem>>, %arg16: memref<64x128xf32, #tpu.memory_space<vmem>>, %arg17: memref<64x128xf32, #tpu.memory_space<vmem>>, %arg18: memref<64x128xf32, #tpu.memory_space<vmem>>, %arg19: memref<!tpu.dma_semaphore, #tpu.memory_space<semaphore_mem>>, %arg20: memref<!tpu.dma_semaphore, #tpu.memory_space<semaphore_mem>>, %arg21: memref<!tpu.dma_semaphore, #tpu.memory_space<semaphore_mem>>, %arg22: memref<!tpu.dma_semaphore, #tpu.memory_space<semaphore_mem>>, %arg23: memref<!tpu.dma_semaphore, #tpu.memory_space<semaphore_mem>>, %arg24: memref<!tpu.dma_semaphore, #tpu.memory_space<semaphore_mem>>) attributes {dimension_semantics = [#tpu.dimension_semantics<core_parallel>, #tpu.dimension_semantics<subcore_parallel>], iteration_bounds = array<i64: 2, 16>, scalar_prefetch = 0 : i64, scratch_operands = 14 : i64, tpu.core_type = #tpu.core_type<sc_vector_subcore>, window_params = [{transform_indices = #map}, {transform_indices = #map}, {transform_indices = #map}, {transform_indices = #map}, {transform_indices = #map1}, {transform_indices = #map1}, {transform_indices = #map1}, {transform_indices = #map}, {transform_indices = #map}]} {
    %mul3A = arith.constant 632 : i32
    %mul3A_0 = arith.muli %arg1, %mul3A : i32
    "tpu.region"() ({
      %run_scoped3A = tpu.sem_alloc : memref<!tpu.dma_semaphore, #tpu.memory_space<semaphore_mem>>
      %dma_start3A = arith.constant 0 : i32
      %dma_start3A_18 = tpu.memref_slice %arg11[%mul3A_0, %dma_start3A] : memref<10112x128xf32, #tpu.memory_space<vmem_shared>> -> memref<632x128xf32, #tpu.memory_space<vmem_shared>>
      %dma_start3A_19 = arith.constant 0 : i32
      %dma_start3A_20 = tpu.memref_slice %arg9[%mul3A_0, %dma_start3A_19] : memref<10112x128xf32, #tpu.memory_space<hbm>> -> memref<632x128xf32, #tpu.memory_space<hbm>>
      tpu.enqueue_dma source(%dma_start3A_20 : memref<632x128xf32, #tpu.memory_space<hbm>>) target(%dma_start3A_18 : memref<632x128xf32, #tpu.memory_space<vmem_shared>>) target_semaphore(%run_scoped3A : memref<!tpu.dma_semaphore, #tpu.memory_space<semaphore_mem>>)
      %dma_wait3A = arith.constant 0 : i32
      %dma_wait3A_21 = tpu.memref_slice %arg11[%mul3A_0, %dma_wait3A] : memref<10112x128xf32, #tpu.memory_space<vmem_shared>> -> memref<632x128xf32, #tpu.memory_space<vmem_shared>>
      %dma_wait3A_22 = arith.constant 0 : i32
      %dma_wait3A_23 = tpu.memref_slice %arg9[%mul3A_0, %dma_wait3A_22] : memref<10112x128xf32, #tpu.memory_space<hbm>> -> memref<632x128xf32, #tpu.memory_space<hbm>>
      tpu.wait_dma2 semaphore(%run_scoped3A : memref<!tpu.dma_semaphore, #tpu.memory_space<semaphore_mem>>) src(%dma_wait3A_23 : memref<632x128xf32, #tpu.memory_space<hbm>>) dst(%dma_wait3A_21 : memref<632x128xf32, #tpu.memory_space<vmem_shared>>)
      tpu.yield
    }) : () -> ()
    %barrier3A = arith.constant 0 : index
    tpu.barrier barrier_id(%barrier3A)
    %eq3A = arith.constant 0 : i32
    %eq3A_1 = arith.cmpi eq, %arg0, %eq3A : i32
    %convert_element_type3A = arith.extui %eq3A_1 : i1 to i32
    %cond3A = arith.constant 0 : i32
    %cond3A_2 = arith.cmpi ne, %convert_element_type3A, %cond3A : i32
    scf.if %cond3A_2 {
      %scan3A = arith.constant 0 : i32
      %scan3A_18 = arith.constant 0 : i32
      %scan3A_19 = arith.constant 10 : i32
      %scan3A_20 = arith.addi %scan3A_18, %scan3A_19 : i32
      %scan3A_21 = arith.constant 1 : i32
      scf.for %scan3A_50 = %scan3A_18 to %scan3A_20 step %scan3A_21  : i32 {
        "tpu.region"() ({
          %run_scoped3A = tpu.sem_alloc : memref<!tpu.dma_semaphore, #tpu.memory_space<semaphore_mem>>
          %dma_start3A = arith.constant 0 : i32
          %dma_start3A_59 = arith.constant 0 : i32
          %dma_start3A_60 = tpu.memref_slice %arg6[%arg1, %scan3A_50, %dma_start3A, %dma_start3A_59] : memref<16x10x16x64xi32, #tpu.memory_space<hbm>> -> memref<1x1x16x64xi32, #tpu.memory_space<hbm>>
          %dma_start3A_61 = tpu.memref_squeeze %dma_start3A_60 : memref<1x1x16x64xi32, #tpu.memory_space<hbm>> -> memref<16x64xi32, #tpu.memory_space<hbm>>
          %dma_start3A_62 = arith.constant 0 : i32
          %dma_start3A_63 = arith.constant 0 : i32
          %dma_start3A_64 = tpu.memref_slice %arg6[%arg1, %scan3A_50, %dma_start3A_62, %dma_start3A_63] : memref<16x10x16x64xi32, #tpu.memory_space<hbm>> -> memref<1x1x16x64xi32, #tpu.memory_space<hbm>>
          %dma_start3A_65 = tpu.memref_squeeze %dma_start3A_64 : memref<1x1x16x64xi32, #tpu.memory_space<hbm>> -> memref<16x64xi32, #tpu.memory_space<hbm>>
          tpu.enqueue_dma source(%dma_start3A_65 : memref<16x64xi32, #tpu.memory_space<hbm>>) target(%arg12 : memref<16x64xi32, #tpu.memory_space<vmem>>) target_semaphore(%run_scoped3A : memref<!tpu.dma_semaphore, #tpu.memory_space<semaphore_mem>>)
          %dma_wait3A_66 = arith.constant 0 : i32
          %dma_wait3A_67 = arith.constant 0 : i32
          %dma_wait3A_68 = tpu.memref_slice %arg6[%arg1, %scan3A_50, %dma_wait3A_66, %dma_wait3A_67] : memref<16x10x16x64xi32, #tpu.memory_space<hbm>> -> memref<1x1x16x64xi32, #tpu.memory_space<hbm>>
          %dma_wait3A_69 = tpu.memref_squeeze %dma_wait3A_68 : memref<1x1x16x64xi32, #tpu.memory_space<hbm>> -> memref<16x64xi32, #tpu.memory_space<hbm>>
          %dma_wait3A_70 = arith.constant 0 : i32
          %dma_wait3A_71 = arith.constant 0 : i32
          %dma_wait3A_72 = tpu.memref_slice %arg6[%arg1, %scan3A_50, %dma_wait3A_70, %dma_wait3A_71] : memref<16x10x16x64xi32, #tpu.memory_space<hbm>> -> memref<1x1x16x64xi32, #tpu.memory_space<hbm>>
          %dma_wait3A_73 = tpu.memref_squeeze %dma_wait3A_72 : memref<1x1x16x64xi32, #tpu.memory_space<hbm>> -> memref<16x64xi32, #tpu.memory_space<hbm>>
          tpu.wait_dma2 semaphore(%run_scoped3A : memref<!tpu.dma_semaphore, #tpu.memory_space<semaphore_mem>>) src(%dma_wait3A_73 : memref<16x64xi32, #tpu.memory_space<hbm>>) dst(%arg12 : memref<16x64xi32, #tpu.memory_space<vmem>>)
          tpu.yield
        }) : () -> ()
        "tpu.region"() ({
          %run_scoped3A = tpu.sem_alloc : memref<!tpu.dma_semaphore, #tpu.memory_space<semaphore_mem>>
          %dma_start3A = arith.constant 0 : i32
          %dma_start3A_59 = arith.constant 0 : i32
          %dma_start3A_60 = tpu.memref_slice %arg7[%arg1, %scan3A_50, %dma_start3A, %dma_start3A_59] : memref<16x10x16x64xi32, #tpu.memory_space<hbm>> -> memref<1x1x16x64xi32, #tpu.memory_space<hbm>>
          %dma_start3A_61 = tpu.memref_squeeze %dma_start3A_60 : memref<1x1x16x64xi32, #tpu.memory_space<hbm>> -> memref<16x64xi32, #tpu.memory_space<hbm>>
          %dma_start3A_62 = arith.constant 0 : i32
          %dma_start3A_63 = arith.constant 0 : i32
          %dma_start3A_64 = tpu.memref_slice %arg7[%arg1, %scan3A_50, %dma_start3A_62, %dma_start3A_63] : memref<16x10x16x64xi32, #tpu.memory_space<hbm>> -> memref<1x1x16x64xi32, #tpu.memory_space<hbm>>
          %dma_start3A_65 = tpu.memref_squeeze %dma_start3A_64 : memref<1x1x16x64xi32, #tpu.memory_space<hbm>> -> memref<16x64xi32, #tpu.memory_space<hbm>>
          tpu.enqueue_dma source(%dma_start3A_65 : memref<16x64xi32, #tpu.memory_space<hbm>>) target(%arg13 : memref<16x64xi32, #tpu.memory_space<vmem>>) target_semaphore(%run_scoped3A : memref<!tpu.dma_semaphore, #tpu.memory_space<semaphore_mem>>)
          %dma_wait3A_66 = arith.constant 0 : i32
          %dma_wait3A_67 = arith.constant 0 : i32
          %dma_wait3A_68 = tpu.memref_slice %arg7[%arg1, %scan3A_50, %dma_wait3A_66, %dma_wait3A_67] : memref<16x10x16x64xi32, #tpu.memory_space<hbm>> -> memref<1x1x16x64xi32, #tpu.memory_space<hbm>>
          %dma_wait3A_69 = tpu.memref_squeeze %dma_wait3A_68 : memref<1x1x16x64xi32, #tpu.memory_space<hbm>> -> memref<16x64xi32, #tpu.memory_space<hbm>>
          %dma_wait3A_70 = arith.constant 0 : i32
          %dma_wait3A_71 = arith.constant 0 : i32
          %dma_wait3A_72 = tpu.memref_slice %arg7[%arg1, %scan3A_50, %dma_wait3A_70, %dma_wait3A_71] : memref<16x10x16x64xi32, #tpu.memory_space<hbm>> -> memref<1x1x16x64xi32, #tpu.memory_space<hbm>>
          %dma_wait3A_73 = tpu.memref_squeeze %dma_wait3A_72 : memref<1x1x16x64xi32, #tpu.memory_space<hbm>> -> memref<16x64xi32, #tpu.memory_space<hbm>>
          tpu.wait_dma2 semaphore(%run_scoped3A : memref<!tpu.dma_semaphore, #tpu.memory_space<semaphore_mem>>) src(%dma_wait3A_73 : memref<16x64xi32, #tpu.memory_space<hbm>>) dst(%arg13 : memref<16x64xi32, #tpu.memory_space<vmem>>)
          tpu.yield
        }) : () -> ()
        "tpu.region"() ({
          %run_scoped3A = tpu.sem_alloc : memref<!tpu.dma_semaphore, #tpu.memory_space<semaphore_mem>>
          %dma_start3A = arith.constant 0 : i32
          %dma_start3A_59 = arith.constant 0 : i32
          %dma_start3A_60 = tpu.memref_slice %arg8[%arg1, %scan3A_50, %dma_start3A, %dma_start3A_59] : memref<16x10x16x64xi32, #tpu.memory_space<hbm>> -> memref<1x1x16x64xi32, #tpu.memory_space<hbm>>
          %dma_start3A_61 = tpu.memref_squeeze %dma_start3A_60 : memref<1x1x16x64xi32, #tpu.memory_space<hbm>> -> memref<16x64xi32, #tpu.memory_space<hbm>>
          %dma_start3A_62 = arith.constant 0 : i32
          %dma_start3A_63 = arith.constant 0 : i32
          %dma_start3A_64 = tpu.memref_slice %arg8[%arg1, %scan3A_50, %dma_start3A_62, %dma_start3A_63] : memref<16x10x16x64xi32, #tpu.memory_space<hbm>> -> memref<1x1x16x64xi32, #tpu.memory_space<hbm>>
          %dma_start3A_65 = tpu.memref_squeeze %dma_start3A_64 : memref<1x1x16x64xi32, #tpu.memory_space<hbm>> -> memref<16x64xi32, #tpu.memory_space<hbm>>
          tpu.enqueue_dma source(%dma_start3A_65 : memref<16x64xi32, #tpu.memory_space<hbm>>) target(%arg14 : memref<16x64xi32, #tpu.memory_space<vmem>>) target_semaphore(%run_scoped3A : memref<!tpu.dma_semaphore, #tpu.memory_space<semaphore_mem>>)
          %dma_wait3A_66 = arith.constant 0 : i32
          %dma_wait3A_67 = arith.constant 0 : i32
          %dma_wait3A_68 = tpu.memref_slice %arg8[%arg1, %scan3A_50, %dma_wait3A_66, %dma_wait3A_67] : memref<16x10x16x64xi32, #tpu.memory_space<hbm>> -> memref<1x1x16x64xi32, #tpu.memory_space<hbm>>
          %dma_wait3A_69 = tpu.memref_squeeze %dma_wait3A_68 : memref<1x1x16x64xi32, #tpu.memory_space<hbm>> -> memref<16x64xi32, #tpu.memory_space<hbm>>
          %dma_wait3A_70 = arith.constant 0 : i32
          %dma_wait3A_71 = arith.constant 0 : i32
          %dma_wait3A_72 = tpu.memref_slice %arg8[%arg1, %scan3A_50, %dma_wait3A_70, %dma_wait3A_71] : memref<16x10x16x64xi32, #tpu.memory_space<hbm>> -> memref<1x1x16x64xi32, #tpu.memory_space<hbm>>
          %dma_wait3A_73 = tpu.memref_squeeze %dma_wait3A_72 : memref<1x1x16x64xi32, #tpu.memory_space<hbm>> -> memref<16x64xi32, #tpu.memory_space<hbm>>
          tpu.wait_dma2 semaphore(%run_scoped3A : memref<!tpu.dma_semaphore, #tpu.memory_space<semaphore_mem>>) src(%dma_wait3A_73 : memref<16x64xi32, #tpu.memory_space<hbm>>) dst(%arg14 : memref<16x64xi32, #tpu.memory_space<vmem>>)
          tpu.yield
        }) : () -> ()
        %eq3A_51 = arith.constant 0 : i32
        %eq3A_52 = arith.cmpi eq, %scan3A_50, %eq3A_51 : i32
        %scan3A_53 = arith.constant 0 : i32
        %scan3A_54 = arith.constant 0 : i32
        %scan3A_55 = arith.constant 8 : i32
        %scan3A_56 = arith.addi %scan3A_54, %scan3A_55 : i32
        %scan3A_57 = arith.constant 1 : i32
        scf.for %scan3A_59 = %scan3A_54 to %scan3A_56 step %scan3A_57  : i32 {
          %mul3A_60 = arith.constant 2 : i32
          %mul3A_61 = arith.muli %scan3A_59, %mul3A_60 : i32
          %add3A = arith.constant 0 : i32
          %add3A_62 = arith.addi %mul3A_61, %add3A : i32
          %eq3A_63 = arith.constant 0 : i32
          %eq3A_64 = arith.cmpi eq, %scan3A_59, %eq3A_63 : i32
          %and3A = arith.andi %eq3A_52, %eq3A_64 : i1
          %not3A = arith.constant true
          %not3A_65 = arith.xori %and3A, %not3A : i1
          %convert_element_type3A_66 = arith.extui %not3A_65 : i1 to i32
          %cond3A_67 = arith.constant 0 : i32
          %cond3A_68 = arith.cmpi ne, %convert_element_type3A_66, %cond3A_67 : i32
          scf.if %cond3A_68 {
            %dma_wait3A_152 = arith.constant 0 : i32
            %dma_wait3A_153 = tpu.memref_slice %arg12[%add3A_62, %dma_wait3A_152] : memref<16x64xi32, #tpu.memory_space<vmem>> -> memref<1x64xi32, #tpu.memory_space<vmem>>
            %dma_wait3A_154 = tpu.memref_squeeze %dma_wait3A_153 : memref<1x64xi32, #tpu.memory_space<vmem>> -> memref<64xi32, #tpu.memory_space<vmem>>
            %dma_wait3A_155 = arith.constant 0 : i32
            %dma_wait3A_156 = arith.constant 0 : i32
            %dma_wait3A_157 = tpu.memref_slice %arg11[%dma_wait3A_155, %dma_wait3A_156] : memref<10112x128xf32, #tpu.memory_space<vmem_shared>> -> memref<10112x128xf32, #tpu.memory_space<vmem_shared>>
            tpu.wait_indirect_dma semaphore(%arg21 : memref<!tpu.dma_semaphore, #tpu.memory_space<semaphore_mem>>) src(%arg15 : memref<64x128xf32, #tpu.memory_space<vmem>>) dst(%dma_wait3A_157 : memref<10112x128xf32, #tpu.memory_space<vmem_shared>>)
            %dma_wait3A_158 = arith.constant 0 : i32
            %dma_wait3A_159 = tpu.memref_slice %arg12[%add3A_62, %dma_wait3A_158] : memref<16x64xi32, #tpu.memory_space<vmem>> -> memref<1x64xi32, #tpu.memory_space<vmem>>
            %dma_wait3A_160 = tpu.memref_squeeze %dma_wait3A_159 : memref<1x64xi32, #tpu.memory_space<vmem>> -> memref<64xi32, #tpu.memory_space<vmem>>
            %dma_wait3A_161 = arith.constant 0 : i32
            %dma_wait3A_162 = arith.constant 0 : i32
            %dma_wait3A_163 = tpu.memref_slice %arg11[%dma_wait3A_161, %dma_wait3A_162] : memref<10112x128xf32, #tpu.memory_space<vmem_shared>> -> memref<10112x128xf32, #tpu.memory_space<vmem_shared>>
            tpu.wait_indirect_dma semaphore(%arg23 : memref<!tpu.dma_semaphore, #tpu.memory_space<semaphore_mem>>) src(%arg17 : memref<64x128xf32, #tpu.memory_space<vmem>>) dst(%dma_wait3A_163 : memref<10112x128xf32, #tpu.memory_space<vmem_shared>>)
          } else {
          }
          %dma_start3A = arith.constant 0 : i32
          %dma_start3A_69 = tpu.memref_slice %arg14[%add3A_62, %dma_start3A] : memref<16x64xi32, #tpu.memory_space<vmem>> -> memref<1x64xi32, #tpu.memory_space<vmem>>
          %dma_start3A_70 = tpu.memref_squeeze %dma_start3A_69 : memref<1x64xi32, #tpu.memory_space<vmem>> -> memref<64xi32, #tpu.memory_space<vmem>>
          %dma_start3A_71 = arith.constant 0 : i32
          %dma_start3A_72 = arith.constant 0 : i32
          %dma_start3A_73 = tpu.memref_slice %arg2[%dma_start3A_71, %dma_start3A_72] : memref<10000x128xf32, #tpu.memory_space<hbm>> -> memref<10000x128xf32, #tpu.memory_space<hbm>>
          tpu.enqueue_indirect_dma source(%dma_start3A_73 : memref<10000x128xf32, #tpu.memory_space<hbm>>) target(%arg15 : memref<64x128xf32, #tpu.memory_space<vmem>>) offsets(%dma_start3A_70 : memref<64xi32, #tpu.memory_space<vmem>>) semaphore(%arg19 : memref<!tpu.dma_semaphore, #tpu.memory_space<semaphore_mem>>)
          %dma_start3A_74 = arith.constant 0 : i32
          %dma_start3A_75 = tpu.memref_slice %arg13[%add3A_62, %dma_start3A_74] : memref<16x64xi32, #tpu.memory_space<vmem>> -> memref<1x64xi32, #tpu.memory_space<vmem>>
          %dma_start3A_76 = tpu.memref_squeeze %dma_start3A_75 : memref<1x64xi32, #tpu.memory_space<vmem>> -> memref<64xi32, #tpu.memory_space<vmem>>
          %dma_start3A_77 = arith.constant 0 : i32
          %dma_start3A_78 = arith.constant 0 : i32
          %dma_start3A_79 = tpu.memref_slice %arg4[%dma_start3A_77, %dma_start3A_78] : memref<10000x128xf32, #tpu.memory_space<hbm>> -> memref<10000x128xf32, #tpu.memory_space<hbm>>
          tpu.enqueue_indirect_dma source(%dma_start3A_79 : memref<10000x128xf32, #tpu.memory_space<hbm>>) target(%arg17 : memref<64x128xf32, #tpu.memory_space<vmem>>) offsets(%dma_start3A_76 : memref<64xi32, #tpu.memory_space<vmem>>) semaphore(%arg20 : memref<!tpu.dma_semaphore, #tpu.memory_space<semaphore_mem>>)
          %dma_wait3A_80 = arith.constant 0 : i32
          %dma_wait3A_81 = tpu.memref_slice %arg14[%add3A_62, %dma_wait3A_80] : memref<16x64xi32, #tpu.memory_space<vmem>> -> memref<1x64xi32, #tpu.memory_space<vmem>>
          %dma_wait3A_82 = tpu.memref_squeeze %dma_wait3A_81 : memref<1x64xi32, #tpu.memory_space<vmem>> -> memref<64xi32, #tpu.memory_space<vmem>>
          %dma_wait3A_83 = arith.constant 0 : i32
          %dma_wait3A_84 = arith.constant 0 : i32
          %dma_wait3A_85 = tpu.memref_slice %arg2[%dma_wait3A_83, %dma_wait3A_84] : memref<10000x128xf32, #tpu.memory_space<hbm>> -> memref<10000x128xf32, #tpu.memory_space<hbm>>
          tpu.wait_indirect_dma semaphore(%arg19 : memref<!tpu.dma_semaphore, #tpu.memory_space<semaphore_mem>>) src(%dma_wait3A_85 : memref<10000x128xf32, #tpu.memory_space<hbm>>) dst(%arg15 : memref<64x128xf32, #tpu.memory_space<vmem>>)
          %dma_wait3A_86 = arith.constant 0 : i32
          %dma_wait3A_87 = tpu.memref_slice %arg13[%add3A_62, %dma_wait3A_86] : memref<16x64xi32, #tpu.memory_space<vmem>> -> memref<1x64xi32, #tpu.memory_space<vmem>>
          %dma_wait3A_88 = tpu.memref_squeeze %dma_wait3A_87 : memref<1x64xi32, #tpu.memory_space<vmem>> -> memref<64xi32, #tpu.memory_space<vmem>>
          %dma_wait3A_89 = arith.constant 0 : i32
          %dma_wait3A_90 = arith.constant 0 : i32
          %dma_wait3A_91 = tpu.memref_slice %arg4[%dma_wait3A_89, %dma_wait3A_90] : memref<10000x128xf32, #tpu.memory_space<hbm>> -> memref<10000x128xf32, #tpu.memory_space<hbm>>
          tpu.wait_indirect_dma semaphore(%arg20 : memref<!tpu.dma_semaphore, #tpu.memory_space<semaphore_mem>>) src(%dma_wait3A_91 : memref<10000x128xf32, #tpu.memory_space<hbm>>) dst(%arg17 : memref<64x128xf32, #tpu.memory_space<vmem>>)
          %dma_start3A_92 = arith.constant 0 : i32
          %dma_start3A_93 = tpu.memref_slice %arg12[%add3A_62, %dma_start3A_92] : memref<16x64xi32, #tpu.memory_space<vmem>> -> memref<1x64xi32, #tpu.memory_space<vmem>>
          %dma_start3A_94 = tpu.memref_squeeze %dma_start3A_93 : memref<1x64xi32, #tpu.memory_space<vmem>> -> memref<64xi32, #tpu.memory_space<vmem>>
          %dma_start3A_95 = arith.constant 0 : i32
          %dma_start3A_96 = arith.constant 0 : i32
          %dma_start3A_97 = tpu.memref_slice %arg11[%dma_start3A_95, %dma_start3A_96] : memref<10112x128xf32, #tpu.memory_space<vmem_shared>> -> memref<10112x128xf32, #tpu.memory_space<vmem_shared>>
          tpu.enqueue_indirect_dma source(%arg15 : memref<64x128xf32, #tpu.memory_space<vmem>>) target(%dma_start3A_97 : memref<10112x128xf32, #tpu.memory_space<vmem_shared>>) offsets(%dma_start3A_94 : memref<64xi32, #tpu.memory_space<vmem>>) semaphore(%arg21 : memref<!tpu.dma_semaphore, #tpu.memory_space<semaphore_mem>>) {add = true}
          %dma_start3A_98 = arith.constant 0 : i32
          %dma_start3A_99 = tpu.memref_slice %arg12[%add3A_62, %dma_start3A_98] : memref<16x64xi32, #tpu.memory_space<vmem>> -> memref<1x64xi32, #tpu.memory_space<vmem>>
          %dma_start3A_100 = tpu.memref_squeeze %dma_start3A_99 : memref<1x64xi32, #tpu.memory_space<vmem>> -> memref<64xi32, #tpu.memory_space<vmem>>
          %dma_start3A_101 = arith.constant 0 : i32
          %dma_start3A_102 = arith.constant 0 : i32
          %dma_start3A_103 = tpu.memref_slice %arg11[%dma_start3A_101, %dma_start3A_102] : memref<10112x128xf32, #tpu.memory_space<vmem_shared>> -> memref<10112x128xf32, #tpu.memory_space<vmem_shared>>
          tpu.enqueue_indirect_dma source(%arg17 : memref<64x128xf32, #tpu.memory_space<vmem>>) target(%dma_start3A_103 : memref<10112x128xf32, #tpu.memory_space<vmem_shared>>) offsets(%dma_start3A_100 : memref<64xi32, #tpu.memory_space<vmem>>) semaphore(%arg23 : memref<!tpu.dma_semaphore, #tpu.memory_space<semaphore_mem>>) {add = true}
          %mul3A_104 = arith.constant 2 : i32
          %mul3A_105 = arith.muli %scan3A_59, %mul3A_104 : i32
          %add3A_106 = arith.constant 1 : i32
          %add3A_107 = arith.addi %mul3A_105, %add3A_106 : i32
          %eq3A_108 = arith.constant 0 : i32
          %eq3A_109 = arith.cmpi eq, %scan3A_59, %eq3A_108 : i32
          %and3A_110 = arith.andi %eq3A_52, %eq3A_109 : i1
          %not3A_111 = arith.constant true
          %not3A_112 = arith.xori %and3A_110, %not3A_111 : i1
          %convert_element_type3A_113 = arith.extui %not3A_112 : i1 to i32
          %cond3A_114 = arith.constant 0 : i32
          %cond3A_115 = arith.cmpi ne, %convert_element_type3A_113, %cond3A_114 : i32
          scf.if %cond3A_115 {
            %dma_wait3A_152 = arith.constant 0 : i32
            %dma_wait3A_153 = tpu.memref_slice %arg12[%add3A_107, %dma_wait3A_152] : memref<16x64xi32, #tpu.memory_space<vmem>> -> memref<1x64xi32, #tpu.memory_space<vmem>>
            %dma_wait3A_154 = tpu.memref_squeeze %dma_wait3A_153 : memref<1x64xi32, #tpu.memory_space<vmem>> -> memref<64xi32, #tpu.memory_space<vmem>>
            %dma_wait3A_155 = arith.constant 0 : i32
            %dma_wait3A_156 = arith.constant 0 : i32
            %dma_wait3A_157 = tpu.memref_slice %arg11[%dma_wait3A_155, %dma_wait3A_156] : memref<10112x128xf32, #tpu.memory_space<vmem_shared>> -> memref<10112x128xf32, #tpu.memory_space<vmem_shared>>
            tpu.wait_indirect_dma semaphore(%arg22 : memref<!tpu.dma_semaphore, #tpu.memory_space<semaphore_mem>>) src(%arg16 : memref<64x128xf32, #tpu.memory_space<vmem>>) dst(%dma_wait3A_157 : memref<10112x128xf32, #tpu.memory_space<vmem_shared>>)
            %dma_wait3A_158 = arith.constant 0 : i32
            %dma_wait3A_159 = tpu.memref_slice %arg12[%add3A_107, %dma_wait3A_158] : memref<16x64xi32, #tpu.memory_space<vmem>> -> memref<1x64xi32, #tpu.memory_space<vmem>>
            %dma_wait3A_160 = tpu.memref_squeeze %dma_wait3A_159 : memref<1x64xi32, #tpu.memory_space<vmem>> -> memref<64xi32, #tpu.memory_space<vmem>>
            %dma_wait3A_161 = arith.constant 0 : i32
            %dma_wait3A_162 = arith.constant 0 : i32
            %dma_wait3A_163 = tpu.memref_slice %arg11[%dma_wait3A_161, %dma_wait3A_162] : memref<10112x128xf32, #tpu.memory_space<vmem_shared>> -> memref<10112x128xf32, #tpu.memory_space<vmem_shared>>
            tpu.wait_indirect_dma semaphore(%arg24 : memref<!tpu.dma_semaphore, #tpu.memory_space<semaphore_mem>>) src(%arg18 : memref<64x128xf32, #tpu.memory_space<vmem>>) dst(%dma_wait3A_163 : memref<10112x128xf32, #tpu.memory_space<vmem_shared>>)
          } else {
          }
          %dma_start3A_116 = arith.constant 0 : i32
          %dma_start3A_117 = tpu.memref_slice %arg14[%add3A_107, %dma_start3A_116] : memref<16x64xi32, #tpu.memory_space<vmem>> -> memref<1x64xi32, #tpu.memory_space<vmem>>
          %dma_start3A_118 = tpu.memref_squeeze %dma_start3A_117 : memref<1x64xi32, #tpu.memory_space<vmem>> -> memref<64xi32, #tpu.memory_space<vmem>>
          %dma_start3A_119 = arith.constant 0 : i32
          %dma_start3A_120 = arith.constant 0 : i32
          %dma_start3A_121 = tpu.memref_slice %arg2[%dma_start3A_119, %dma_start3A_120] : memref<10000x128xf32, #tpu.memory_space<hbm>> -> memref<10000x128xf32, #tpu.memory_space<hbm>>
          tpu.enqueue_indirect_dma source(%dma_start3A_121 : memref<10000x128xf32, #tpu.memory_space<hbm>>) target(%arg16 : memref<64x128xf32, #tpu.memory_space<vmem>>) offsets(%dma_start3A_118 : memref<64xi32, #tpu.memory_space<vmem>>) semaphore(%arg19 : memref<!tpu.dma_semaphore, #tpu.memory_space<semaphore_mem>>)
          %dma_start3A_122 = arith.constant 0 : i32
          %dma_start3A_123 = tpu.memref_slice %arg13[%add3A_107, %dma_start3A_122] : memref<16x64xi32, #tpu.memory_space<vmem>> -> memref<1x64xi32, #tpu.memory_space<vmem>>
          %dma_start3A_124 = tpu.memref_squeeze %dma_start3A_123 : memref<1x64xi32, #tpu.memory_space<vmem>> -> memref<64xi32, #tpu.memory_space<vmem>>
          %dma_start3A_125 = arith.constant 0 : i32
          %dma_start3A_126 = arith.constant 0 : i32
          %dma_start3A_127 = tpu.memref_slice %arg4[%dma_start3A_125, %dma_start3A_126] : memref<10000x128xf32, #tpu.memory_space<hbm>> -> memref<10000x128xf32, #tpu.memory_space<hbm>>
          tpu.enqueue_indirect_dma source(%dma_start3A_127 : memref<10000x128xf32, #tpu.memory_space<hbm>>) target(%arg18 : memref<64x128xf32, #tpu.memory_space<vmem>>) offsets(%dma_start3A_124 : memref<64xi32, #tpu.memory_space<vmem>>) semaphore(%arg20 : memref<!tpu.dma_semaphore, #tpu.memory_space<semaphore_mem>>)
          %dma_wait3A_128 = arith.constant 0 : i32
          %dma_wait3A_129 = tpu.memref_slice %arg14[%add3A_107, %dma_wait3A_128] : memref<16x64xi32, #tpu.memory_space<vmem>> -> memref<1x64xi32, #tpu.memory_space<vmem>>
          %dma_wait3A_130 = tpu.memref_squeeze %dma_wait3A_129 : memref<1x64xi32, #tpu.memory_space<vmem>> -> memref<64xi32, #tpu.memory_space<vmem>>
          %dma_wait3A_131 = arith.constant 0 : i32
          %dma_wait3A_132 = arith.constant 0 : i32
          %dma_wait3A_133 = tpu.memref_slice %arg2[%dma_wait3A_131, %dma_wait3A_132] : memref<10000x128xf32, #tpu.memory_space<hbm>> -> memref<10000x128xf32, #tpu.memory_space<hbm>>
          tpu.wait_indirect_dma semaphore(%arg19 : memref<!tpu.dma_semaphore, #tpu.memory_space<semaphore_mem>>) src(%dma_wait3A_133 : memref<10000x128xf32, #tpu.memory_space<hbm>>) dst(%arg16 : memref<64x128xf32, #tpu.memory_space<vmem>>)
          %dma_wait3A_134 = arith.constant 0 : i32
          %dma_wait3A_135 = tpu.memref_slice %arg13[%add3A_107, %dma_wait3A_134] : memref<16x64xi32, #tpu.memory_space<vmem>> -> memref<1x64xi32, #tpu.memory_space<vmem>>
          %dma_wait3A_136 = tpu.memref_squeeze %dma_wait3A_135 : memref<1x64xi32, #tpu.memory_space<vmem>> -> memref<64xi32, #tpu.memory_space<vmem>>
          %dma_wait3A_137 = arith.constant 0 : i32
          %dma_wait3A_138 = arith.constant 0 : i32
          %dma_wait3A_139 = tpu.memref_slice %arg4[%dma_wait3A_137, %dma_wait3A_138] : memref<10000x128xf32, #tpu.memory_space<hbm>> -> memref<10000x128xf32, #tpu.memory_space<hbm>>
          tpu.wait_indirect_dma semaphore(%arg20 : memref<!tpu.dma_semaphore, #tpu.memory_space<semaphore_mem>>) src(%dma_wait3A_139 : memref<10000x128xf32, #tpu.memory_space<hbm>>) dst(%arg18 : memref<64x128xf32, #tpu.memory_space<vmem>>)
          %dma_start3A_140 = arith.constant 0 : i32
          %dma_start3A_141 = tpu.memref_slice %arg12[%add3A_107, %dma_start3A_140] : memref<16x64xi32, #tpu.memory_space<vmem>> -> memref<1x64xi32, #tpu.memory_space<vmem>>
          %dma_start3A_142 = tpu.memref_squeeze %dma_start3A_141 : memref<1x64xi32, #tpu.memory_space<vmem>> -> memref<64xi32, #tpu.memory_space<vmem>>
          %dma_start3A_143 = arith.constant 0 : i32
          %dma_start3A_144 = arith.constant 0 : i32
          %dma_start3A_145 = tpu.memref_slice %arg11[%dma_start3A_143, %dma_start3A_144] : memref<10112x128xf32, #tpu.memory_space<vmem_shared>> -> memref<10112x128xf32, #tpu.memory_space<vmem_shared>>
          tpu.enqueue_indirect_dma source(%arg16 : memref<64x128xf32, #tpu.memory_space<vmem>>) target(%dma_start3A_145 : memref<10112x128xf32, #tpu.memory_space<vmem_shared>>) offsets(%dma_start3A_142 : memref<64xi32, #tpu.memory_space<vmem>>) semaphore(%arg22 : memref<!tpu.dma_semaphore, #tpu.memory_space<semaphore_mem>>) {add = true}
          %dma_start3A_146 = arith.constant 0 : i32
          %dma_start3A_147 = tpu.memref_slice %arg12[%add3A_107, %dma_start3A_146] : memref<16x64xi32, #tpu.memory_space<vmem>> -> memref<1x64xi32, #tpu.memory_space<vmem>>
          %dma_start3A_148 = tpu.memref_squeeze %dma_start3A_147 : memref<1x64xi32, #tpu.memory_space<vmem>> -> memref<64xi32, #tpu.memory_space<vmem>>
          %dma_start3A_149 = arith.constant 0 : i32
          %dma_start3A_150 = arith.constant 0 : i32
          %dma_start3A_151 = tpu.memref_slice %arg11[%dma_start3A_149, %dma_start3A_150] : memref<10112x128xf32, #tpu.memory_space<vmem_shared>> -> memref<10112x128xf32, #tpu.memory_space<vmem_shared>>
          tpu.enqueue_indirect_dma source(%arg18 : memref<64x128xf32, #tpu.memory_space<vmem>>) target(%dma_start3A_151 : memref<10112x128xf32, #tpu.memory_space<vmem_shared>>) offsets(%dma_start3A_148 : memref<64xi32, #tpu.memory_space<vmem>>) semaphore(%arg24 : memref<!tpu.dma_semaphore, #tpu.memory_space<semaphore_mem>>) {add = true}
        }
        %scan3A_58 = arith.constant 8 : i32
      }
      %scan3A_22 = arith.constant 10 : i32
      %dma_wait3A = arith.constant 0 : i32
      %dma_wait3A_23 = arith.constant 0 : i32
      %dma_wait3A_24 = tpu.memref_slice %arg12[%dma_wait3A, %dma_wait3A_23] : memref<16x64xi32, #tpu.memory_space<vmem>> -> memref<1x64xi32, #tpu.memory_space<vmem>>
      %dma_wait3A_25 = tpu.memref_squeeze %dma_wait3A_24 : memref<1x64xi32, #tpu.memory_space<vmem>> -> memref<64xi32, #tpu.memory_space<vmem>>
      %dma_wait3A_26 = arith.constant 0 : i32
      %dma_wait3A_27 = arith.constant 0 : i32
      %dma_wait3A_28 = tpu.memref_slice %arg11[%dma_wait3A_26, %dma_wait3A_27] : memref<10112x128xf32, #tpu.memory_space<vmem_shared>> -> memref<10112x128xf32, #tpu.memory_space<vmem_shared>>
      tpu.wait_indirect_dma semaphore(%arg21 : memref<!tpu.dma_semaphore, #tpu.memory_space<semaphore_mem>>) src(%arg15 : memref<64x128xf32, #tpu.memory_space<vmem>>) dst(%dma_wait3A_28 : memref<10112x128xf32, #tpu.memory_space<vmem_shared>>)
      %dma_wait3A_29 = arith.constant 0 : i32
      %dma_wait3A_30 = arith.constant 0 : i32
      %dma_wait3A_31 = tpu.memref_slice %arg12[%dma_wait3A_29, %dma_wait3A_30] : memref<16x64xi32, #tpu.memory_space<vmem>> -> memref<1x64xi32, #tpu.memory_space<vmem>>
      %dma_wait3A_32 = tpu.memref_squeeze %dma_wait3A_31 : memref<1x64xi32, #tpu.memory_space<vmem>> -> memref<64xi32, #tpu.memory_space<vmem>>
      %dma_wait3A_33 = arith.constant 0 : i32
      %dma_wait3A_34 = arith.constant 0 : i32
      %dma_wait3A_35 = tpu.memref_slice %arg11[%dma_wait3A_33, %dma_wait3A_34] : memref<10112x128xf32, #tpu.memory_space<vmem_shared>> -> memref<10112x128xf32, #tpu.memory_space<vmem_shared>>
      tpu.wait_indirect_dma semaphore(%arg23 : memref<!tpu.dma_semaphore, #tpu.memory_space<semaphore_mem>>) src(%arg17 : memref<64x128xf32, #tpu.memory_space<vmem>>) dst(%dma_wait3A_35 : memref<10112x128xf32, #tpu.memory_space<vmem_shared>>)
      %dma_wait3A_36 = arith.constant 0 : i32
      %dma_wait3A_37 = arith.constant 0 : i32
      %dma_wait3A_38 = tpu.memref_slice %arg12[%dma_wait3A_36, %dma_wait3A_37] : memref<16x64xi32, #tpu.memory_space<vmem>> -> memref<1x64xi32, #tpu.memory_space<vmem>>
      %dma_wait3A_39 = tpu.memref_squeeze %dma_wait3A_38 : memref<1x64xi32, #tpu.memory_space<vmem>> -> memref<64xi32, #tpu.memory_space<vmem>>
      %dma_wait3A_40 = arith.constant 0 : i32
      %dma_wait3A_41 = arith.constant 0 : i32
      %dma_wait3A_42 = tpu.memref_slice %arg11[%dma_wait3A_40, %dma_wait3A_41] : memref<10112x128xf32, #tpu.memory_space<vmem_shared>> -> memref<10112x128xf32, #tpu.memory_space<vmem_shared>>
      tpu.wait_indirect_dma semaphore(%arg22 : memref<!tpu.dma_semaphore, #tpu.memory_space<semaphore_mem>>) src(%arg16 : memref<64x128xf32, #tpu.memory_space<vmem>>) dst(%dma_wait3A_42 : memref<10112x128xf32, #tpu.memory_space<vmem_shared>>)
      %dma_wait3A_43 = arith.constant 0 : i32
      %dma_wait3A_44 = arith.constant 0 : i32
      %dma_wait3A_45 = tpu.memref_slice %arg12[%dma_wait3A_43, %dma_wait3A_44] : memref<16x64xi32, #tpu.memory_space<vmem>> -> memref<1x64xi32, #tpu.memory_space<vmem>>
      %dma_wait3A_46 = tpu.memref_squeeze %dma_wait3A_45 : memref<1x64xi32, #tpu.memory_space<vmem>> -> memref<64xi32, #tpu.memory_space<vmem>>
      %dma_wait3A_47 = arith.constant 0 : i32
      %dma_wait3A_48 = arith.constant 0 : i32
      %dma_wait3A_49 = tpu.memref_slice %arg11[%dma_wait3A_47, %dma_wait3A_48] : memref<10112x128xf32, #tpu.memory_space<vmem_shared>> -> memref<10112x128xf32, #tpu.memory_space<vmem_shared>>
      tpu.wait_indirect_dma semaphore(%arg24 : memref<!tpu.dma_semaphore, #tpu.memory_space<semaphore_mem>>) src(%arg18 : memref<64x128xf32, #tpu.memory_space<vmem>>) dst(%dma_wait3A_49 : memref<10112x128xf32, #tpu.memory_space<vmem_shared>>)
    } else {
    }
    %eq3A_3 = arith.constant 1 : i32
    %eq3A_4 = arith.cmpi eq, %arg0, %eq3A_3 : i32
    %convert_element_type3A_5 = arith.extui %eq3A_4 : i1 to i32
    %cond3A_6 = arith.constant 0 : i32
    %cond3A_7 = arith.cmpi ne, %convert_element_type3A_5, %cond3A_6 : i32
    scf.if %cond3A_7 {
      %scan3A = arith.constant 0 : i32
      %scan3A_18 = arith.constant 0 : i32
      %scan3A_19 = arith.constant 10 : i32
      %scan3A_20 = arith.addi %scan3A_18, %scan3A_19 : i32
      %scan3A_21 = arith.constant 1 : i32
      scf.for %scan3A_50 = %scan3A_18 to %scan3A_20 step %scan3A_21  : i32 {
        "tpu.region"() ({
          %run_scoped3A = tpu.sem_alloc : memref<!tpu.dma_semaphore, #tpu.memory_space<semaphore_mem>>
          %dma_start3A = arith.constant 0 : i32
          %dma_start3A_59 = arith.constant 0 : i32
          %dma_start3A_60 = tpu.memref_slice %arg6[%arg1, %scan3A_50, %dma_start3A, %dma_start3A_59] : memref<16x10x16x64xi32, #tpu.memory_space<hbm>> -> memref<1x1x16x64xi32, #tpu.memory_space<hbm>>
          %dma_start3A_61 = tpu.memref_squeeze %dma_start3A_60 : memref<1x1x16x64xi32, #tpu.memory_space<hbm>> -> memref<16x64xi32, #tpu.memory_space<hbm>>
          %dma_start3A_62 = arith.constant 0 : i32
          %dma_start3A_63 = arith.constant 0 : i32
          %dma_start3A_64 = tpu.memref_slice %arg6[%arg1, %scan3A_50, %dma_start3A_62, %dma_start3A_63] : memref<16x10x16x64xi32, #tpu.memory_space<hbm>> -> memref<1x1x16x64xi32, #tpu.memory_space<hbm>>
          %dma_start3A_65 = tpu.memref_squeeze %dma_start3A_64 : memref<1x1x16x64xi32, #tpu.memory_space<hbm>> -> memref<16x64xi32, #tpu.memory_space<hbm>>
          tpu.enqueue_dma source(%dma_start3A_65 : memref<16x64xi32, #tpu.memory_space<hbm>>) target(%arg12 : memref<16x64xi32, #tpu.memory_space<vmem>>) target_semaphore(%run_scoped3A : memref<!tpu.dma_semaphore, #tpu.memory_space<semaphore_mem>>)
          %dma_wait3A_66 = arith.constant 0 : i32
          %dma_wait3A_67 = arith.constant 0 : i32
          %dma_wait3A_68 = tpu.memref_slice %arg6[%arg1, %scan3A_50, %dma_wait3A_66, %dma_wait3A_67] : memref<16x10x16x64xi32, #tpu.memory_space<hbm>> -> memref<1x1x16x64xi32, #tpu.memory_space<hbm>>
          %dma_wait3A_69 = tpu.memref_squeeze %dma_wait3A_68 : memref<1x1x16x64xi32, #tpu.memory_space<hbm>> -> memref<16x64xi32, #tpu.memory_space<hbm>>
          %dma_wait3A_70 = arith.constant 0 : i32
          %dma_wait3A_71 = arith.constant 0 : i32
          %dma_wait3A_72 = tpu.memref_slice %arg6[%arg1, %scan3A_50, %dma_wait3A_70, %dma_wait3A_71] : memref<16x10x16x64xi32, #tpu.memory_space<hbm>> -> memref<1x1x16x64xi32, #tpu.memory_space<hbm>>
          %dma_wait3A_73 = tpu.memref_squeeze %dma_wait3A_72 : memref<1x1x16x64xi32, #tpu.memory_space<hbm>> -> memref<16x64xi32, #tpu.memory_space<hbm>>
          tpu.wait_dma2 semaphore(%run_scoped3A : memref<!tpu.dma_semaphore, #tpu.memory_space<semaphore_mem>>) src(%dma_wait3A_73 : memref<16x64xi32, #tpu.memory_space<hbm>>) dst(%arg12 : memref<16x64xi32, #tpu.memory_space<vmem>>)
          tpu.yield
        }) : () -> ()
        "tpu.region"() ({
          %run_scoped3A = tpu.sem_alloc : memref<!tpu.dma_semaphore, #tpu.memory_space<semaphore_mem>>
          %dma_start3A = arith.constant 0 : i32
          %dma_start3A_59 = arith.constant 0 : i32
          %dma_start3A_60 = tpu.memref_slice %arg7[%arg1, %scan3A_50, %dma_start3A, %dma_start3A_59] : memref<16x10x16x64xi32, #tpu.memory_space<hbm>> -> memref<1x1x16x64xi32, #tpu.memory_space<hbm>>
          %dma_start3A_61 = tpu.memref_squeeze %dma_start3A_60 : memref<1x1x16x64xi32, #tpu.memory_space<hbm>> -> memref<16x64xi32, #tpu.memory_space<hbm>>
          %dma_start3A_62 = arith.constant 0 : i32
          %dma_start3A_63 = arith.constant 0 : i32
          %dma_start3A_64 = tpu.memref_slice %arg7[%arg1, %scan3A_50, %dma_start3A_62, %dma_start3A_63] : memref<16x10x16x64xi32, #tpu.memory_space<hbm>> -> memref<1x1x16x64xi32, #tpu.memory_space<hbm>>
          %dma_start3A_65 = tpu.memref_squeeze %dma_start3A_64 : memref<1x1x16x64xi32, #tpu.memory_space<hbm>> -> memref<16x64xi32, #tpu.memory_space<hbm>>
          tpu.enqueue_dma source(%dma_start3A_65 : memref<16x64xi32, #tpu.memory_space<hbm>>) target(%arg13 : memref<16x64xi32, #tpu.memory_space<vmem>>) target_semaphore(%run_scoped3A : memref<!tpu.dma_semaphore, #tpu.memory_space<semaphore_mem>>)
          %dma_wait3A_66 = arith.constant 0 : i32
          %dma_wait3A_67 = arith.constant 0 : i32
          %dma_wait3A_68 = tpu.memref_slice %arg7[%arg1, %scan3A_50, %dma_wait3A_66, %dma_wait3A_67] : memref<16x10x16x64xi32, #tpu.memory_space<hbm>> -> memref<1x1x16x64xi32, #tpu.memory_space<hbm>>
          %dma_wait3A_69 = tpu.memref_squeeze %dma_wait3A_68 : memref<1x1x16x64xi32, #tpu.memory_space<hbm>> -> memref<16x64xi32, #tpu.memory_space<hbm>>
          %dma_wait3A_70 = arith.constant 0 : i32
          %dma_wait3A_71 = arith.constant 0 : i32
          %dma_wait3A_72 = tpu.memref_slice %arg7[%arg1, %scan3A_50, %dma_wait3A_70, %dma_wait3A_71] : memref<16x10x16x64xi32, #tpu.memory_space<hbm>> -> memref<1x1x16x64xi32, #tpu.memory_space<hbm>>
          %dma_wait3A_73 = tpu.memref_squeeze %dma_wait3A_72 : memref<1x1x16x64xi32, #tpu.memory_space<hbm>> -> memref<16x64xi32, #tpu.memory_space<hbm>>
          tpu.wait_dma2 semaphore(%run_scoped3A : memref<!tpu.dma_semaphore, #tpu.memory_space<semaphore_mem>>) src(%dma_wait3A_73 : memref<16x64xi32, #tpu.memory_space<hbm>>) dst(%arg13 : memref<16x64xi32, #tpu.memory_space<vmem>>)
          tpu.yield
        }) : () -> ()
        "tpu.region"() ({
          %run_scoped3A = tpu.sem_alloc : memref<!tpu.dma_semaphore, #tpu.memory_space<semaphore_mem>>
          %dma_start3A = arith.constant 0 : i32
          %dma_start3A_59 = arith.constant 0 : i32
          %dma_start3A_60 = tpu.memref_slice %arg8[%arg1, %scan3A_50, %dma_start3A, %dma_start3A_59] : memref<16x10x16x64xi32, #tpu.memory_space<hbm>> -> memref<1x1x16x64xi32, #tpu.memory_space<hbm>>
          %dma_start3A_61 = tpu.memref_squeeze %dma_start3A_60 : memref<1x1x16x64xi32, #tpu.memory_space<hbm>> -> memref<16x64xi32, #tpu.memory_space<hbm>>
          %dma_start3A_62 = arith.constant 0 : i32
          %dma_start3A_63 = arith.constant 0 : i32
          %dma_start3A_64 = tpu.memref_slice %arg8[%arg1, %scan3A_50, %dma_start3A_62, %dma_start3A_63] : memref<16x10x16x64xi32, #tpu.memory_space<hbm>> -> memref<1x1x16x64xi32, #tpu.memory_space<hbm>>
          %dma_start3A_65 = tpu.memref_squeeze %dma_start3A_64 : memref<1x1x16x64xi32, #tpu.memory_space<hbm>> -> memref<16x64xi32, #tpu.memory_space<hbm>>
          tpu.enqueue_dma source(%dma_start3A_65 : memref<16x64xi32, #tpu.memory_space<hbm>>) target(%arg14 : memref<16x64xi32, #tpu.memory_space<vmem>>) target_semaphore(%run_scoped3A : memref<!tpu.dma_semaphore, #tpu.memory_space<semaphore_mem>>)
          %dma_wait3A_66 = arith.constant 0 : i32
          %dma_wait3A_67 = arith.constant 0 : i32
          %dma_wait3A_68 = tpu.memref_slice %arg8[%arg1, %scan3A_50, %dma_wait3A_66, %dma_wait3A_67] : memref<16x10x16x64xi32, #tpu.memory_space<hbm>> -> memref<1x1x16x64xi32, #tpu.memory_space<hbm>>
          %dma_wait3A_69 = tpu.memref_squeeze %dma_wait3A_68 : memref<1x1x16x64xi32, #tpu.memory_space<hbm>> -> memref<16x64xi32, #tpu.memory_space<hbm>>
          %dma_wait3A_70 = arith.constant 0 : i32
          %dma_wait3A_71 = arith.constant 0 : i32
          %dma_wait3A_72 = tpu.memref_slice %arg8[%arg1, %scan3A_50, %dma_wait3A_70, %dma_wait3A_71] : memref<16x10x16x64xi32, #tpu.memory_space<hbm>> -> memref<1x1x16x64xi32, #tpu.memory_space<hbm>>
          %dma_wait3A_73 = tpu.memref_squeeze %dma_wait3A_72 : memref<1x1x16x64xi32, #tpu.memory_space<hbm>> -> memref<16x64xi32, #tpu.memory_space<hbm>>
          tpu.wait_dma2 semaphore(%run_scoped3A : memref<!tpu.dma_semaphore, #tpu.memory_space<semaphore_mem>>) src(%dma_wait3A_73 : memref<16x64xi32, #tpu.memory_space<hbm>>) dst(%arg14 : memref<16x64xi32, #tpu.memory_space<vmem>>)
          tpu.yield
        }) : () -> ()
        %eq3A_51 = arith.constant 0 : i32
        %eq3A_52 = arith.cmpi eq, %scan3A_50, %eq3A_51 : i32
        %scan3A_53 = arith.constant 0 : i32
        %scan3A_54 = arith.constant 0 : i32
        %scan3A_55 = arith.constant 8 : i32
        %scan3A_56 = arith.addi %scan3A_54, %scan3A_55 : i32
        %scan3A_57 = arith.constant 1 : i32
        scf.for %scan3A_59 = %scan3A_54 to %scan3A_56 step %scan3A_57  : i32 {
          %mul3A_60 = arith.constant 2 : i32
          %mul3A_61 = arith.muli %scan3A_59, %mul3A_60 : i32
          %add3A = arith.constant 0 : i32
          %add3A_62 = arith.addi %mul3A_61, %add3A : i32
          %eq3A_63 = arith.constant 0 : i32
          %eq3A_64 = arith.cmpi eq, %scan3A_59, %eq3A_63 : i32
          %and3A = arith.andi %eq3A_52, %eq3A_64 : i1
          %not3A = arith.constant true
          %not3A_65 = arith.xori %and3A, %not3A : i1
          %convert_element_type3A_66 = arith.extui %not3A_65 : i1 to i32
          %cond3A_67 = arith.constant 0 : i32
          %cond3A_68 = arith.cmpi ne, %convert_element_type3A_66, %cond3A_67 : i32
          scf.if %cond3A_68 {
            %dma_wait3A_152 = arith.constant 0 : i32
            %dma_wait3A_153 = tpu.memref_slice %arg12[%add3A_62, %dma_wait3A_152] : memref<16x64xi32, #tpu.memory_space<vmem>> -> memref<1x64xi32, #tpu.memory_space<vmem>>
            %dma_wait3A_154 = tpu.memref_squeeze %dma_wait3A_153 : memref<1x64xi32, #tpu.memory_space<vmem>> -> memref<64xi32, #tpu.memory_space<vmem>>
            %dma_wait3A_155 = arith.constant 0 : i32
            %dma_wait3A_156 = arith.constant 0 : i32
            %dma_wait3A_157 = tpu.memref_slice %arg11[%dma_wait3A_155, %dma_wait3A_156] : memref<10112x128xf32, #tpu.memory_space<vmem_shared>> -> memref<10112x128xf32, #tpu.memory_space<vmem_shared>>
            tpu.wait_indirect_dma semaphore(%arg21 : memref<!tpu.dma_semaphore, #tpu.memory_space<semaphore_mem>>) src(%arg15 : memref<64x128xf32, #tpu.memory_space<vmem>>) dst(%dma_wait3A_157 : memref<10112x128xf32, #tpu.memory_space<vmem_shared>>)
            %dma_wait3A_158 = arith.constant 0 : i32
            %dma_wait3A_159 = tpu.memref_slice %arg12[%add3A_62, %dma_wait3A_158] : memref<16x64xi32, #tpu.memory_space<vmem>> -> memref<1x64xi32, #tpu.memory_space<vmem>>
            %dma_wait3A_160 = tpu.memref_squeeze %dma_wait3A_159 : memref<1x64xi32, #tpu.memory_space<vmem>> -> memref<64xi32, #tpu.memory_space<vmem>>
            %dma_wait3A_161 = arith.constant 0 : i32
            %dma_wait3A_162 = arith.constant 0 : i32
            %dma_wait3A_163 = tpu.memref_slice %arg11[%dma_wait3A_161, %dma_wait3A_162] : memref<10112x128xf32, #tpu.memory_space<vmem_shared>> -> memref<10112x128xf32, #tpu.memory_space<vmem_shared>>
            tpu.wait_indirect_dma semaphore(%arg23 : memref<!tpu.dma_semaphore, #tpu.memory_space<semaphore_mem>>) src(%arg17 : memref<64x128xf32, #tpu.memory_space<vmem>>) dst(%dma_wait3A_163 : memref<10112x128xf32, #tpu.memory_space<vmem_shared>>)
          } else {
          }
          %dma_start3A = arith.constant 0 : i32
          %dma_start3A_69 = tpu.memref_slice %arg14[%add3A_62, %dma_start3A] : memref<16x64xi32, #tpu.memory_space<vmem>> -> memref<1x64xi32, #tpu.memory_space<vmem>>
          %dma_start3A_70 = tpu.memref_squeeze %dma_start3A_69 : memref<1x64xi32, #tpu.memory_space<vmem>> -> memref<64xi32, #tpu.memory_space<vmem>>
          %dma_start3A_71 = arith.constant 0 : i32
          %dma_start3A_72 = arith.constant 0 : i32
          %dma_start3A_73 = tpu.memref_slice %arg3[%dma_start3A_71, %dma_start3A_72] : memref<10000x128xf32, #tpu.memory_space<hbm>> -> memref<10000x128xf32, #tpu.memory_space<hbm>>
          tpu.enqueue_indirect_dma source(%dma_start3A_73 : memref<10000x128xf32, #tpu.memory_space<hbm>>) target(%arg15 : memref<64x128xf32, #tpu.memory_space<vmem>>) offsets(%dma_start3A_70 : memref<64xi32, #tpu.memory_space<vmem>>) semaphore(%arg19 : memref<!tpu.dma_semaphore, #tpu.memory_space<semaphore_mem>>)
          %dma_start3A_74 = arith.constant 0 : i32
          %dma_start3A_75 = tpu.memref_slice %arg13[%add3A_62, %dma_start3A_74] : memref<16x64xi32, #tpu.memory_space<vmem>> -> memref<1x64xi32, #tpu.memory_space<vmem>>
          %dma_start3A_76 = tpu.memref_squeeze %dma_start3A_75 : memref<1x64xi32, #tpu.memory_space<vmem>> -> memref<64xi32, #tpu.memory_space<vmem>>
          %dma_start3A_77 = arith.constant 0 : i32
          %dma_start3A_78 = arith.constant 0 : i32
          %dma_start3A_79 = tpu.memref_slice %arg5[%dma_start3A_77, %dma_start3A_78] : memref<10000x128xf32, #tpu.memory_space<hbm>> -> memref<10000x128xf32, #tpu.memory_space<hbm>>
          tpu.enqueue_indirect_dma source(%dma_start3A_79 : memref<10000x128xf32, #tpu.memory_space<hbm>>) target(%arg17 : memref<64x128xf32, #tpu.memory_space<vmem>>) offsets(%dma_start3A_76 : memref<64xi32, #tpu.memory_space<vmem>>) semaphore(%arg20 : memref<!tpu.dma_semaphore, #tpu.memory_space<semaphore_mem>>)
          %dma_wait3A_80 = arith.constant 0 : i32
          %dma_wait3A_81 = tpu.memref_slice %arg14[%add3A_62, %dma_wait3A_80] : memref<16x64xi32, #tpu.memory_space<vmem>> -> memref<1x64xi32, #tpu.memory_space<vmem>>
          %dma_wait3A_82 = tpu.memref_squeeze %dma_wait3A_81 : memref<1x64xi32, #tpu.memory_space<vmem>> -> memref<64xi32, #tpu.memory_space<vmem>>
          %dma_wait3A_83 = arith.constant 0 : i32
          %dma_wait3A_84 = arith.constant 0 : i32
          %dma_wait3A_85 = tpu.memref_slice %arg3[%dma_wait3A_83, %dma_wait3A_84] : memref<10000x128xf32, #tpu.memory_space<hbm>> -> memref<10000x128xf32, #tpu.memory_space<hbm>>
          tpu.wait_indirect_dma semaphore(%arg19 : memref<!tpu.dma_semaphore, #tpu.memory_space<semaphore_mem>>) src(%dma_wait3A_85 : memref<10000x128xf32, #tpu.memory_space<hbm>>) dst(%arg15 : memref<64x128xf32, #tpu.memory_space<vmem>>)
          %dma_wait3A_86 = arith.constant 0 : i32
          %dma_wait3A_87 = tpu.memref_slice %arg13[%add3A_62, %dma_wait3A_86] : memref<16x64xi32, #tpu.memory_space<vmem>> -> memref<1x64xi32, #tpu.memory_space<vmem>>
          %dma_wait3A_88 = tpu.memref_squeeze %dma_wait3A_87 : memref<1x64xi32, #tpu.memory_space<vmem>> -> memref<64xi32, #tpu.memory_space<vmem>>
          %dma_wait3A_89 = arith.constant 0 : i32
          %dma_wait3A_90 = arith.constant 0 : i32
          %dma_wait3A_91 = tpu.memref_slice %arg5[%dma_wait3A_89, %dma_wait3A_90] : memref<10000x128xf32, #tpu.memory_space<hbm>> -> memref<10000x128xf32, #tpu.memory_space<hbm>>
          tpu.wait_indirect_dma semaphore(%arg20 : memref<!tpu.dma_semaphore, #tpu.memory_space<semaphore_mem>>) src(%dma_wait3A_91 : memref<10000x128xf32, #tpu.memory_space<hbm>>) dst(%arg17 : memref<64x128xf32, #tpu.memory_space<vmem>>)
          %dma_start3A_92 = arith.constant 0 : i32
          %dma_start3A_93 = tpu.memref_slice %arg12[%add3A_62, %dma_start3A_92] : memref<16x64xi32, #tpu.memory_space<vmem>> -> memref<1x64xi32, #tpu.memory_space<vmem>>
          %dma_start3A_94 = tpu.memref_squeeze %dma_start3A_93 : memref<1x64xi32, #tpu.memory_space<vmem>> -> memref<64xi32, #tpu.memory_space<vmem>>
          %dma_start3A_95 = arith.constant 0 : i32
          %dma_start3A_96 = arith.constant 0 : i32
          %dma_start3A_97 = tpu.memref_slice %arg11[%dma_start3A_95, %dma_start3A_96] : memref<10112x128xf32, #tpu.memory_space<vmem_shared>> -> memref<10112x128xf32, #tpu.memory_space<vmem_shared>>
          tpu.enqueue_indirect_dma source(%arg15 : memref<64x128xf32, #tpu.memory_space<vmem>>) target(%dma_start3A_97 : memref<10112x128xf32, #tpu.memory_space<vmem_shared>>) offsets(%dma_start3A_94 : memref<64xi32, #tpu.memory_space<vmem>>) semaphore(%arg21 : memref<!tpu.dma_semaphore, #tpu.memory_space<semaphore_mem>>) {add = true}
          %dma_start3A_98 = arith.constant 0 : i32
          %dma_start3A_99 = tpu.memref_slice %arg12[%add3A_62, %dma_start3A_98] : memref<16x64xi32, #tpu.memory_space<vmem>> -> memref<1x64xi32, #tpu.memory_space<vmem>>
          %dma_start3A_100 = tpu.memref_squeeze %dma_start3A_99 : memref<1x64xi32, #tpu.memory_space<vmem>> -> memref<64xi32, #tpu.memory_space<vmem>>
          %dma_start3A_101 = arith.constant 0 : i32
          %dma_start3A_102 = arith.constant 0 : i32
          %dma_start3A_103 = tpu.memref_slice %arg11[%dma_start3A_101, %dma_start3A_102] : memref<10112x128xf32, #tpu.memory_space<vmem_shared>> -> memref<10112x128xf32, #tpu.memory_space<vmem_shared>>
          tpu.enqueue_indirect_dma source(%arg17 : memref<64x128xf32, #tpu.memory_space<vmem>>) target(%dma_start3A_103 : memref<10112x128xf32, #tpu.memory_space<vmem_shared>>) offsets(%dma_start3A_100 : memref<64xi32, #tpu.memory_space<vmem>>) semaphore(%arg23 : memref<!tpu.dma_semaphore, #tpu.memory_space<semaphore_mem>>) {add = true}
          %mul3A_104 = arith.constant 2 : i32
          %mul3A_105 = arith.muli %scan3A_59, %mul3A_104 : i32
          %add3A_106 = arith.constant 1 : i32
          %add3A_107 = arith.addi %mul3A_105, %add3A_106 : i32
          %eq3A_108 = arith.constant 0 : i32
          %eq3A_109 = arith.cmpi eq, %scan3A_59, %eq3A_108 : i32
          %and3A_110 = arith.andi %eq3A_52, %eq3A_109 : i1
          %not3A_111 = arith.constant true
          %not3A_112 = arith.xori %and3A_110, %not3A_111 : i1
          %convert_element_type3A_113 = arith.extui %not3A_112 : i1 to i32
          %cond3A_114 = arith.constant 0 : i32
          %cond3A_115 = arith.cmpi ne, %convert_element_type3A_113, %cond3A_114 : i32
          scf.if %cond3A_115 {
            %dma_wait3A_152 = arith.constant 0 : i32
            %dma_wait3A_153 = tpu.memref_slice %arg12[%add3A_107, %dma_wait3A_152] : memref<16x64xi32, #tpu.memory_space<vmem>> -> memref<1x64xi32, #tpu.memory_space<vmem>>
            %dma_wait3A_154 = tpu.memref_squeeze %dma_wait3A_153 : memref<1x64xi32, #tpu.memory_space<vmem>> -> memref<64xi32, #tpu.memory_space<vmem>>
            %dma_wait3A_155 = arith.constant 0 : i32
            %dma_wait3A_156 = arith.constant 0 : i32
            %dma_wait3A_157 = tpu.memref_slice %arg11[%dma_wait3A_155, %dma_wait3A_156] : memref<10112x128xf32, #tpu.memory_space<vmem_shared>> -> memref<10112x128xf32, #tpu.memory_space<vmem_shared>>
            tpu.wait_indirect_dma semaphore(%arg22 : memref<!tpu.dma_semaphore, #tpu.memory_space<semaphore_mem>>) src(%arg16 : memref<64x128xf32, #tpu.memory_space<vmem>>) dst(%dma_wait3A_157 : memref<10112x128xf32, #tpu.memory_space<vmem_shared>>)
            %dma_wait3A_158 = arith.constant 0 : i32
            %dma_wait3A_159 = tpu.memref_slice %arg12[%add3A_107, %dma_wait3A_158] : memref<16x64xi32, #tpu.memory_space<vmem>> -> memref<1x64xi32, #tpu.memory_space<vmem>>
            %dma_wait3A_160 = tpu.memref_squeeze %dma_wait3A_159 : memref<1x64xi32, #tpu.memory_space<vmem>> -> memref<64xi32, #tpu.memory_space<vmem>>
            %dma_wait3A_161 = arith.constant 0 : i32
            %dma_wait3A_162 = arith.constant 0 : i32
            %dma_wait3A_163 = tpu.memref_slice %arg11[%dma_wait3A_161, %dma_wait3A_162] : memref<10112x128xf32, #tpu.memory_space<vmem_shared>> -> memref<10112x128xf32, #tpu.memory_space<vmem_shared>>
            tpu.wait_indirect_dma semaphore(%arg24 : memref<!tpu.dma_semaphore, #tpu.memory_space<semaphore_mem>>) src(%arg18 : memref<64x128xf32, #tpu.memory_space<vmem>>) dst(%dma_wait3A_163 : memref<10112x128xf32, #tpu.memory_space<vmem_shared>>)
          } else {
          }
          %dma_start3A_116 = arith.constant 0 : i32
          %dma_start3A_117 = tpu.memref_slice %arg14[%add3A_107, %dma_start3A_116] : memref<16x64xi32, #tpu.memory_space<vmem>> -> memref<1x64xi32, #tpu.memory_space<vmem>>
          %dma_start3A_118 = tpu.memref_squeeze %dma_start3A_117 : memref<1x64xi32, #tpu.memory_space<vmem>> -> memref<64xi32, #tpu.memory_space<vmem>>
          %dma_start3A_119 = arith.constant 0 : i32
          %dma_start3A_120 = arith.constant 0 : i32
          %dma_start3A_121 = tpu.memref_slice %arg3[%dma_start3A_119, %dma_start3A_120] : memref<10000x128xf32, #tpu.memory_space<hbm>> -> memref<10000x128xf32, #tpu.memory_space<hbm>>
          tpu.enqueue_indirect_dma source(%dma_start3A_121 : memref<10000x128xf32, #tpu.memory_space<hbm>>) target(%arg16 : memref<64x128xf32, #tpu.memory_space<vmem>>) offsets(%dma_start3A_118 : memref<64xi32, #tpu.memory_space<vmem>>) semaphore(%arg19 : memref<!tpu.dma_semaphore, #tpu.memory_space<semaphore_mem>>)
          %dma_start3A_122 = arith.constant 0 : i32
          %dma_start3A_123 = tpu.memref_slice %arg13[%add3A_107, %dma_start3A_122] : memref<16x64xi32, #tpu.memory_space<vmem>> -> memref<1x64xi32, #tpu.memory_space<vmem>>
          %dma_start3A_124 = tpu.memref_squeeze %dma_start3A_123 : memref<1x64xi32, #tpu.memory_space<vmem>> -> memref<64xi32, #tpu.memory_space<vmem>>
          %dma_start3A_125 = arith.constant 0 : i32
          %dma_start3A_126 = arith.constant 0 : i32
          %dma_start3A_127 = tpu.memref_slice %arg5[%dma_start3A_125, %dma_start3A_126] : memref<10000x128xf32, #tpu.memory_space<hbm>> -> memref<10000x128xf32, #tpu.memory_space<hbm>>
          tpu.enqueue_indirect_dma source(%dma_start3A_127 : memref<10000x128xf32, #tpu.memory_space<hbm>>) target(%arg18 : memref<64x128xf32, #tpu.memory_space<vmem>>) offsets(%dma_start3A_124 : memref<64xi32, #tpu.memory_space<vmem>>) semaphore(%arg20 : memref<!tpu.dma_semaphore, #tpu.memory_space<semaphore_mem>>)
          %dma_wait3A_128 = arith.constant 0 : i32
          %dma_wait3A_129 = tpu.memref_slice %arg14[%add3A_107, %dma_wait3A_128] : memref<16x64xi32, #tpu.memory_space<vmem>> -> memref<1x64xi32, #tpu.memory_space<vmem>>
          %dma_wait3A_130 = tpu.memref_squeeze %dma_wait3A_129 : memref<1x64xi32, #tpu.memory_space<vmem>> -> memref<64xi32, #tpu.memory_space<vmem>>
          %dma_wait3A_131 = arith.constant 0 : i32
          %dma_wait3A_132 = arith.constant 0 : i32
          %dma_wait3A_133 = tpu.memref_slice %arg3[%dma_wait3A_131, %dma_wait3A_132] : memref<10000x128xf32, #tpu.memory_space<hbm>> -> memref<10000x128xf32, #tpu.memory_space<hbm>>
          tpu.wait_indirect_dma semaphore(%arg19 : memref<!tpu.dma_semaphore, #tpu.memory_space<semaphore_mem>>) src(%dma_wait3A_133 : memref<10000x128xf32, #tpu.memory_space<hbm>>) dst(%arg16 : memref<64x128xf32, #tpu.memory_space<vmem>>)
          %dma_wait3A_134 = arith.constant 0 : i32
          %dma_wait3A_135 = tpu.memref_slice %arg13[%add3A_107, %dma_wait3A_134] : memref<16x64xi32, #tpu.memory_space<vmem>> -> memref<1x64xi32, #tpu.memory_space<vmem>>
          %dma_wait3A_136 = tpu.memref_squeeze %dma_wait3A_135 : memref<1x64xi32, #tpu.memory_space<vmem>> -> memref<64xi32, #tpu.memory_space<vmem>>
          %dma_wait3A_137 = arith.constant 0 : i32
          %dma_wait3A_138 = arith.constant 0 : i32
          %dma_wait3A_139 = tpu.memref_slice %arg5[%dma_wait3A_137, %dma_wait3A_138] : memref<10000x128xf32, #tpu.memory_space<hbm>> -> memref<10000x128xf32, #tpu.memory_space<hbm>>
          tpu.wait_indirect_dma semaphore(%arg20 : memref<!tpu.dma_semaphore, #tpu.memory_space<semaphore_mem>>) src(%dma_wait3A_139 : memref<10000x128xf32, #tpu.memory_space<hbm>>) dst(%arg18 : memref<64x128xf32, #tpu.memory_space<vmem>>)
          %dma_start3A_140 = arith.constant 0 : i32
          %dma_start3A_141 = tpu.memref_slice %arg12[%add3A_107, %dma_start3A_140] : memref<16x64xi32, #tpu.memory_space<vmem>> -> memref<1x64xi32, #tpu.memory_space<vmem>>
          %dma_start3A_142 = tpu.memref_squeeze %dma_start3A_141 : memref<1x64xi32, #tpu.memory_space<vmem>> -> memref<64xi32, #tpu.memory_space<vmem>>
          %dma_start3A_143 = arith.constant 0 : i32
          %dma_start3A_144 = arith.constant 0 : i32
          %dma_start3A_145 = tpu.memref_slice %arg11[%dma_start3A_143, %dma_start3A_144] : memref<10112x128xf32, #tpu.memory_space<vmem_shared>> -> memref<10112x128xf32, #tpu.memory_space<vmem_shared>>
          tpu.enqueue_indirect_dma source(%arg16 : memref<64x128xf32, #tpu.memory_space<vmem>>) target(%dma_start3A_145 : memref<10112x128xf32, #tpu.memory_space<vmem_shared>>) offsets(%dma_start3A_142 : memref<64xi32, #tpu.memory_space<vmem>>) semaphore(%arg22 : memref<!tpu.dma_semaphore, #tpu.memory_space<semaphore_mem>>) {add = true}
          %dma_start3A_146 = arith.constant 0 : i32
          %dma_start3A_147 = tpu.memref_slice %arg12[%add3A_107, %dma_start3A_146] : memref<16x64xi32, #tpu.memory_space<vmem>> -> memref<1x64xi32, #tpu.memory_space<vmem>>
          %dma_start3A_148 = tpu.memref_squeeze %dma_start3A_147 : memref<1x64xi32, #tpu.memory_space<vmem>> -> memref<64xi32, #tpu.memory_space<vmem>>
          %dma_start3A_149 = arith.constant 0 : i32
          %dma_start3A_150 = arith.constant 0 : i32
          %dma_start3A_151 = tpu.memref_slice %arg11[%dma_start3A_149, %dma_start3A_150] : memref<10112x128xf32, #tpu.memory_space<vmem_shared>> -> memref<10112x128xf32, #tpu.memory_space<vmem_shared>>
          tpu.enqueue_indirect_dma source(%arg18 : memref<64x128xf32, #tpu.memory_space<vmem>>) target(%dma_start3A_151 : memref<10112x128xf32, #tpu.memory_space<vmem_shared>>) offsets(%dma_start3A_148 : memref<64xi32, #tpu.memory_space<vmem>>) semaphore(%arg24 : memref<!tpu.dma_semaphore, #tpu.memory_space<semaphore_mem>>) {add = true}
        }
        %scan3A_58 = arith.constant 8 : i32
      }
      %scan3A_22 = arith.constant 10 : i32
      %dma_wait3A = arith.constant 0 : i32
      %dma_wait3A_23 = arith.constant 0 : i32
      %dma_wait3A_24 = tpu.memref_slice %arg12[%dma_wait3A, %dma_wait3A_23] : memref<16x64xi32, #tpu.memory_space<vmem>> -> memref<1x64xi32, #tpu.memory_space<vmem>>
      %dma_wait3A_25 = tpu.memref_squeeze %dma_wait3A_24 : memref<1x64xi32, #tpu.memory_space<vmem>> -> memref<64xi32, #tpu.memory_space<vmem>>
      %dma_wait3A_26 = arith.constant 0 : i32
      %dma_wait3A_27 = arith.constant 0 : i32
      %dma_wait3A_28 = tpu.memref_slice %arg11[%dma_wait3A_26, %dma_wait3A_27] : memref<10112x128xf32, #tpu.memory_space<vmem_shared>> -> memref<10112x128xf32, #tpu.memory_space<vmem_shared>>
      tpu.wait_indirect_dma semaphore(%arg21 : memref<!tpu.dma_semaphore, #tpu.memory_space<semaphore_mem>>) src(%arg15 : memref<64x128xf32, #tpu.memory_space<vmem>>) dst(%dma_wait3A_28 : memref<10112x128xf32, #tpu.memory_space<vmem_shared>>)
      %dma_wait3A_29 = arith.constant 0 : i32
      %dma_wait3A_30 = arith.constant 0 : i32
      %dma_wait3A_31 = tpu.memref_slice %arg12[%dma_wait3A_29, %dma_wait3A_30] : memref<16x64xi32, #tpu.memory_space<vmem>> -> memref<1x64xi32, #tpu.memory_space<vmem>>
      %dma_wait3A_32 = tpu.memref_squeeze %dma_wait3A_31 : memref<1x64xi32, #tpu.memory_space<vmem>> -> memref<64xi32, #tpu.memory_space<vmem>>
      %dma_wait3A_33 = arith.constant 0 : i32
      %dma_wait3A_34 = arith.constant 0 : i32
      %dma_wait3A_35 = tpu.memref_slice %arg11[%dma_wait3A_33, %dma_wait3A_34] : memref<10112x128xf32, #tpu.memory_space<vmem_shared>> -> memref<10112x128xf32, #tpu.memory_space<vmem_shared>>
      tpu.wait_indirect_dma semaphore(%arg23 : memref<!tpu.dma_semaphore, #tpu.memory_space<semaphore_mem>>) src(%arg17 : memref<64x128xf32, #tpu.memory_space<vmem>>) dst(%dma_wait3A_35 : memref<10112x128xf32, #tpu.memory_space<vmem_shared>>)
      %dma_wait3A_36 = arith.constant 0 : i32
      %dma_wait3A_37 = arith.constant 0 : i32
      %dma_wait3A_38 = tpu.memref_slice %arg12[%dma_wait3A_36, %dma_wait3A_37] : memref<16x64xi32, #tpu.memory_space<vmem>> -> memref<1x64xi32, #tpu.memory_space<vmem>>
      %dma_wait3A_39 = tpu.memref_squeeze %dma_wait3A_38 : memref<1x64xi32, #tpu.memory_space<vmem>> -> memref<64xi32, #tpu.memory_space<vmem>>
      %dma_wait3A_40 = arith.constant 0 : i32
      %dma_wait3A_41 = arith.constant 0 : i32
      %dma_wait3A_42 = tpu.memref_slice %arg11[%dma_wait3A_40, %dma_wait3A_41] : memref<10112x128xf32, #tpu.memory_space<vmem_shared>> -> memref<10112x128xf32, #tpu.memory_space<vmem_shared>>
      tpu.wait_indirect_dma semaphore(%arg22 : memref<!tpu.dma_semaphore, #tpu.memory_space<semaphore_mem>>) src(%arg16 : memref<64x128xf32, #tpu.memory_space<vmem>>) dst(%dma_wait3A_42 : memref<10112x128xf32, #tpu.memory_space<vmem_shared>>)
      %dma_wait3A_43 = arith.constant 0 : i32
      %dma_wait3A_44 = arith.constant 0 : i32
      %dma_wait3A_45 = tpu.memref_slice %arg12[%dma_wait3A_43, %dma_wait3A_44] : memref<16x64xi32, #tpu.memory_space<vmem>> -> memref<1x64xi32, #tpu.memory_space<vmem>>
      %dma_wait3A_46 = tpu.memref_squeeze %dma_wait3A_45 : memref<1x64xi32, #tpu.memory_space<vmem>> -> memref<64xi32, #tpu.memory_space<vmem>>
      %dma_wait3A_47 = arith.constant 0 : i32
      %dma_wait3A_48 = arith.constant 0 : i32
      %dma_wait3A_49 = tpu.memref_slice %arg11[%dma_wait3A_47, %dma_wait3A_48] : memref<10112x128xf32, #tpu.memory_space<vmem_shared>> -> memref<10112x128xf32, #tpu.memory_space<vmem_shared>>
      tpu.wait_indirect_dma semaphore(%arg24 : memref<!tpu.dma_semaphore, #tpu.memory_space<semaphore_mem>>) src(%arg18 : memref<64x128xf32, #tpu.memory_space<vmem>>) dst(%dma_wait3A_49 : memref<10112x128xf32, #tpu.memory_space<vmem_shared>>)
    } else {
    }
    %barrier3A_8 = arith.constant 0 : index
    tpu.barrier barrier_id(%barrier3A_8)
    %lt3A = arith.constant 15 : i32
    %lt3A_9 = arith.cmpi slt, %arg1, %lt3A : i32
    %convert_element_type3A_10 = arith.extui %lt3A_9 : i1 to i32
    %cond3A_11 = arith.constant 0 : i32
    %cond3A_12 = arith.cmpi ne, %convert_element_type3A_10, %cond3A_11 : i32
    scf.if %cond3A_12 {
      %eq3A_18 = arith.constant 0 : i32
      %eq3A_19 = arith.cmpi eq, %arg0, %eq3A_18 : i32
      %convert_element_type3A_20 = arith.extui %eq3A_19 : i1 to i32
      %cond3A_21 = arith.constant 0 : i32
      %cond3A_22 = arith.cmpi ne, %convert_element_type3A_20, %cond3A_21 : i32
      scf.if %cond3A_22 {
        "tpu.region"() ({
          %run_scoped3A = tpu.sem_alloc : memref<!tpu.dma_semaphore, #tpu.memory_space<semaphore_mem>>
          %dma_start3A = arith.constant 0 : i32
          %dma_start3A_28 = tpu.memref_slice %arg10[%mul3A_0, %dma_start3A] : memref<10000x256xf32, #tpu.memory_space<hbm>> -> memref<632x128xf32, #tpu.memory_space<hbm>>
          %dma_start3A_29 = arith.constant 0 : i32
          %dma_start3A_30 = tpu.memref_slice %arg11[%mul3A_0, %dma_start3A_29] : memref<10112x128xf32, #tpu.memory_space<vmem_shared>> -> memref<632x128xf32, #tpu.memory_space<vmem_shared>>
          tpu.enqueue_dma source(%dma_start3A_30 : memref<632x128xf32, #tpu.memory_space<vmem_shared>>) target(%dma_start3A_28 : memref<632x128xf32, #tpu.memory_space<hbm>>) target_semaphore(%run_scoped3A : memref<!tpu.dma_semaphore, #tpu.memory_space<semaphore_mem>>)
          %dma_wait3A = arith.constant 0 : i32
          %dma_wait3A_31 = tpu.memref_slice %arg10[%mul3A_0, %dma_wait3A] : memref<10000x256xf32, #tpu.memory_space<hbm>> -> memref<632x128xf32, #tpu.memory_space<hbm>>
          %dma_wait3A_32 = arith.constant 0 : i32
          %dma_wait3A_33 = tpu.memref_slice %arg11[%mul3A_0, %dma_wait3A_32] : memref<10112x128xf32, #tpu.memory_space<vmem_shared>> -> memref<632x128xf32, #tpu.memory_space<vmem_shared>>
          tpu.wait_dma2 semaphore(%run_scoped3A : memref<!tpu.dma_semaphore, #tpu.memory_space<semaphore_mem>>) src(%dma_wait3A_33 : memref<632x128xf32, #tpu.memory_space<vmem_shared>>) dst(%dma_wait3A_31 : memref<632x128xf32, #tpu.memory_space<hbm>>)
          tpu.yield
        }) : () -> ()
      } else {
      }
      %eq3A_23 = arith.constant 1 : i32
      %eq3A_24 = arith.cmpi eq, %arg0, %eq3A_23 : i32
      %convert_element_type3A_25 = arith.extui %eq3A_24 : i1 to i32
      %cond3A_26 = arith.constant 0 : i32
      %cond3A_27 = arith.cmpi ne, %convert_element_type3A_25, %cond3A_26 : i32
      scf.if %cond3A_27 {
        "tpu.region"() ({
          %run_scoped3A = tpu.sem_alloc : memref<!tpu.dma_semaphore, #tpu.memory_space<semaphore_mem>>
          %dma_start3A = arith.constant 128 : i32
          %dma_start3A_28 = tpu.memref_slice %arg10[%mul3A_0, %dma_start3A] : memref<10000x256xf32, #tpu.memory_space<hbm>> -> memref<632x128xf32, #tpu.memory_space<hbm>>
          %dma_start3A_29 = arith.constant 0 : i32
          %dma_start3A_30 = tpu.memref_slice %arg11[%mul3A_0, %dma_start3A_29] : memref<10112x128xf32, #tpu.memory_space<vmem_shared>> -> memref<632x128xf32, #tpu.memory_space<vmem_shared>>
          tpu.enqueue_dma source(%dma_start3A_30 : memref<632x128xf32, #tpu.memory_space<vmem_shared>>) target(%dma_start3A_28 : memref<632x128xf32, #tpu.memory_space<hbm>>) target_semaphore(%run_scoped3A : memref<!tpu.dma_semaphore, #tpu.memory_space<semaphore_mem>>)
          %dma_wait3A = arith.constant 128 : i32
          %dma_wait3A_31 = tpu.memref_slice %arg10[%mul3A_0, %dma_wait3A] : memref<10000x256xf32, #tpu.memory_space<hbm>> -> memref<632x128xf32, #tpu.memory_space<hbm>>
          %dma_wait3A_32 = arith.constant 0 : i32
          %dma_wait3A_33 = tpu.memref_slice %arg11[%mul3A_0, %dma_wait3A_32] : memref<10112x128xf32, #tpu.memory_space<vmem_shared>> -> memref<632x128xf32, #tpu.memory_space<vmem_shared>>
          tpu.wait_dma2 semaphore(%run_scoped3A : memref<!tpu.dma_semaphore, #tpu.memory_space<semaphore_mem>>) src(%dma_wait3A_33 : memref<632x128xf32, #tpu.memory_space<vmem_shared>>) dst(%dma_wait3A_31 : memref<632x128xf32, #tpu.memory_space<hbm>>)
          tpu.yield
        }) : () -> ()
      } else {
      }
    } else {
    }
    %eq3A_13 = arith.constant 15 : i32
    %eq3A_14 = arith.cmpi eq, %arg1, %eq3A_13 : i32
    %convert_element_type3A_15 = arith.extui %eq3A_14 : i1 to i32
    %cond3A_16 = arith.constant 0 : i32
    %cond3A_17 = arith.cmpi ne, %convert_element_type3A_15, %cond3A_16 : i32
    scf.if %cond3A_17 {
      %eq3A_18 = arith.constant 0 : i32
      %eq3A_19 = arith.cmpi eq, %arg0, %eq3A_18 : i32
      %convert_element_type3A_20 = arith.extui %eq3A_19 : i1 to i32
      %cond3A_21 = arith.constant 0 : i32
      %cond3A_22 = arith.cmpi ne, %convert_element_type3A_20, %cond3A_21 : i32
      scf.if %cond3A_22 {
        "tpu.region"() ({
          %run_scoped3A = tpu.sem_alloc : memref<!tpu.dma_semaphore, #tpu.memory_space<semaphore_mem>>
          %dma_start3A = arith.constant 0 : i32
          %dma_start3A_28 = tpu.memref_slice %arg10[%mul3A_0, %dma_start3A] : memref<10000x256xf32, #tpu.memory_space<hbm>> -> memref<520x128xf32, #tpu.memory_space<hbm>>
          %dma_start3A_29 = arith.constant 0 : i32
          %dma_start3A_30 = tpu.memref_slice %arg11[%mul3A_0, %dma_start3A_29] : memref<10112x128xf32, #tpu.memory_space<vmem_shared>> -> memref<520x128xf32, #tpu.memory_space<vmem_shared>>
          tpu.enqueue_dma source(%dma_start3A_30 : memref<520x128xf32, #tpu.memory_space<vmem_shared>>) target(%dma_start3A_28 : memref<520x128xf32, #tpu.memory_space<hbm>>) target_semaphore(%run_scoped3A : memref<!tpu.dma_semaphore, #tpu.memory_space<semaphore_mem>>)
          %dma_wait3A = arith.constant 0 : i32
          %dma_wait3A_31 = tpu.memref_slice %arg10[%mul3A_0, %dma_wait3A] : memref<10000x256xf32, #tpu.memory_space<hbm>> -> memref<520x128xf32, #tpu.memory_space<hbm>>
          %dma_wait3A_32 = arith.constant 0 : i32
          %dma_wait3A_33 = tpu.memref_slice %arg11[%mul3A_0, %dma_wait3A_32] : memref<10112x128xf32, #tpu.memory_space<vmem_shared>> -> memref<520x128xf32, #tpu.memory_space<vmem_shared>>
          tpu.wait_dma2 semaphore(%run_scoped3A : memref<!tpu.dma_semaphore, #tpu.memory_space<semaphore_mem>>) src(%dma_wait3A_33 : memref<520x128xf32, #tpu.memory_space<vmem_shared>>) dst(%dma_wait3A_31 : memref<520x128xf32, #tpu.memory_space<hbm>>)
          tpu.yield
        }) : () -> ()
      } else {
      }
      %eq3A_23 = arith.constant 1 : i32
      %eq3A_24 = arith.cmpi eq, %arg0, %eq3A_23 : i32
      %convert_element_type3A_25 = arith.extui %eq3A_24 : i1 to i32
      %cond3A_26 = arith.constant 0 : i32
      %cond3A_27 = arith.cmpi ne, %convert_element_type3A_25, %cond3A_26 : i32
      scf.if %cond3A_27 {
        "tpu.region"() ({
          %run_scoped3A = tpu.sem_alloc : memref<!tpu.dma_semaphore, #tpu.memory_space<semaphore_mem>>
          %dma_start3A = arith.constant 128 : i32
          %dma_start3A_28 = tpu.memref_slice %arg10[%mul3A_0, %dma_start3A] : memref<10000x256xf32, #tpu.memory_space<hbm>> -> memref<520x128xf32, #tpu.memory_space<hbm>>
          %dma_start3A_29 = arith.constant 0 : i32
          %dma_start3A_30 = tpu.memref_slice %arg11[%mul3A_0, %dma_start3A_29] : memref<10112x128xf32, #tpu.memory_space<vmem_shared>> -> memref<520x128xf32, #tpu.memory_space<vmem_shared>>
          tpu.enqueue_dma source(%dma_start3A_30 : memref<520x128xf32, #tpu.memory_space<vmem_shared>>) target(%dma_start3A_28 : memref<520x128xf32, #tpu.memory_space<hbm>>) target_semaphore(%run_scoped3A : memref<!tpu.dma_semaphore, #tpu.memory_space<semaphore_mem>>)
          %dma_wait3A = arith.constant 128 : i32
          %dma_wait3A_31 = tpu.memref_slice %arg10[%mul3A_0, %dma_wait3A] : memref<10000x256xf32, #tpu.memory_space<hbm>> -> memref<520x128xf32, #tpu.memory_space<hbm>>
          %dma_wait3A_32 = arith.constant 0 : i32
          %dma_wait3A_33 = tpu.memref_slice %arg11[%mul3A_0, %dma_wait3A_32] : memref<10112x128xf32, #tpu.memory_space<vmem_shared>> -> memref<520x128xf32, #tpu.memory_space<vmem_shared>>
          tpu.wait_dma2 semaphore(%run_scoped3A : memref<!tpu.dma_semaphore, #tpu.memory_space<semaphore_mem>>) src(%dma_wait3A_33 : memref<520x128xf32, #tpu.memory_space<vmem_shared>>) dst(%dma_wait3A_31 : memref<520x128xf32, #tpu.memory_space<hbm>>)
          tpu.yield
        }) : () -> ()
      } else {
      }
    } else {
    }
    return
  }
}

module attributes {stable_mosaic.version = 14 : i64} {
  func.func @_matmul_body(%arg0: i32, %arg1: memref<1000x256xf32, #tpu.memory_space<vmem>>, %arg2: memref<256x256xf32, #tpu.memory_space<vmem>>, %arg3: memref<256x256xf32, #tpu.memory_space<vmem>>, %arg4: memref<1x256xf32, #tpu.memory_space<vmem>>, %arg5: memref<1000x128xf32, #tpu.memory_space<vmem>>, %arg6: memref<1000x128xf32, #tpu.memory_space<vmem>>, %arg7: memref<1000x128xf32, #tpu.memory_space<vmem>>, %arg8: memref<1000x128xf32, #tpu.memory_space<vmem>>) attributes {dimension_semantics = [#tpu.dimension_semantics<arbitrary>], iteration_bounds = array<i64: 10>, scalar_prefetch = 0 : i64, scratch_operands = 0 : i64, tpu.core_type = #tpu.core_type<tc>, window_params = [{transform_indices = @transform_0, window_bounds = array<i64: 1000, 256>}, {pipeline_mode = #tpu.pipeline_mode<synchronous>, transform_indices = @transform_1, window_bounds = array<i64: 256, 256>}, {pipeline_mode = #tpu.pipeline_mode<synchronous>, transform_indices = @transform_2, window_bounds = array<i64: 256, 256>}, {pipeline_mode = #tpu.pipeline_mode<synchronous>, transform_indices = @transform_3, window_bounds = array<i64: 1, 256>}, {transform_indices = @transform_4, window_bounds = array<i64: 1000, 128>}, {transform_indices = @transform_5, window_bounds = array<i64: 1000, 128>}, {transform_indices = @transform_6, window_bounds = array<i64: 1000, 128>}, {transform_indices = @transform_7, window_bounds = array<i64: 1000, 128>}]} {
    %get3A = arith.constant 0 : index
    %get3A_0 = arith.constant 0 : index
    %get3A_1 = vector.load %arg1[%get3A, %get3A_0] : memref<1000x256xf32, #tpu.memory_space<vmem>>, vector<1000x256xf32>
    %get3A_2 = arith.constant 0 : index
    %get3A_3 = arith.constant 0 : index
    %get3A_4 = vector.load %arg2[%get3A_2, %get3A_3] : memref<256x256xf32, #tpu.memory_space<vmem>>, vector<256x256xf32>
    %get3A_5 = arith.constant 0 : index
    %get3A_6 = arith.constant 0 : index
    %get3A_7 = vector.load %arg3[%get3A_5, %get3A_6] : memref<256x256xf32, #tpu.memory_space<vmem>>, vector<256x256xf32>
    %dot_general3A = arith.constant dense<0.000000e+00> : vector<1000x256xf32>
    %dot_general3A_8 = tpu.matmul %get3A_1, %get3A_7, %dot_general3A {dimension_numbers = #tpu.dot_dimension_numbers<[1], [1], [0], [0], [0, 0, 1, 0], [], []>, transpose_lhs_hint = false} : vector<1000x256xf32>, vector<256x256xf32>, vector<1000x256xf32> -> vector<1000x256xf32>
    %sub3A = arith.subf %get3A_4, %get3A_7 : vector<256x256xf32>
    %dot_general3A_9 = arith.constant dense<0.000000e+00> : vector<1000x256xf32>
    %dot_general3A_10 = tpu.matmul %get3A_1, %sub3A, %dot_general3A_9 {dimension_numbers = #tpu.dot_dimension_numbers<[1], [1], [0], [0], [0, 0, 1, 0], [], []>, transpose_lhs_hint = false} : vector<1000x256xf32>, vector<256x256xf32>, vector<1000x256xf32> -> vector<1000x256xf32>
    %get3A_11 = arith.constant 0 : index
    %get3A_12 = arith.constant 0 : index
    %get3A_13 = vector.load %arg4[%get3A_11, %get3A_12] : memref<1x256xf32, #tpu.memory_space<vmem>>, vector<1x256xf32>
    %add3A = vector.broadcast %get3A_13 : vector<1x256xf32> to vector<1000x256xf32>
    %add3A_14 = arith.addf %dot_general3A_10, %add3A : vector<1000x256xf32>
    %slice3A = vector.extract_strided_slice %dot_general3A_8 {offsets = [0, 0], sizes = [1000, 128], strides = [1, 1]} : vector<1000x256xf32> to vector<1000x128xf32>
    %swap3A = arith.constant 0 : index
    %swap3A_15 = arith.constant 0 : index
    %swap3A_16 = vector.load %arg5[%swap3A, %swap3A_15] : memref<1000x128xf32, #tpu.memory_space<vmem>>, vector<1000x128xf32>
    tpu.vector_store %arg5[%swap3A, %swap3A_15], %slice3A {strides = array<i32>} : memref<1000x128xf32, #tpu.memory_space<vmem>>, vector<1000x128xf32>,
    %slice3A_17 = vector.extract_strided_slice %dot_general3A_8 {offsets = [0, 128], sizes = [1000, 128], strides = [1, 1]} : vector<1000x256xf32> to vector<1000x128xf32>
    %swap3A_18 = arith.constant 0 : index
    %swap3A_19 = arith.constant 0 : index
    %swap3A_20 = vector.load %arg6[%swap3A_18, %swap3A_19] : memref<1000x128xf32, #tpu.memory_space<vmem>>, vector<1000x128xf32>
    tpu.vector_store %arg6[%swap3A_18, %swap3A_19], %slice3A_17 {strides = array<i32>} : memref<1000x128xf32, #tpu.memory_space<vmem>>, vector<1000x128xf32>,
    %slice3A_21 = vector.extract_strided_slice %add3A_14 {offsets = [0, 0], sizes = [1000, 128], strides = [1, 1]} : vector<1000x256xf32> to vector<1000x128xf32>
    %swap3A_22 = arith.constant 0 : index
    %swap3A_23 = arith.constant 0 : index
    %swap3A_24 = vector.load %arg7[%swap3A_22, %swap3A_23] : memref<1000x128xf32, #tpu.memory_space<vmem>>, vector<1000x128xf32>
    tpu.vector_store %arg7[%swap3A_22, %swap3A_23], %slice3A_21 {strides = array<i32>} : memref<1000x128xf32, #tpu.memory_space<vmem>>, vector<1000x128xf32>,
    %slice3A_25 = vector.extract_strided_slice %add3A_14 {offsets = [0, 128], sizes = [1000, 128], strides = [1, 1]} : vector<1000x256xf32> to vector<1000x128xf32>
    %swap3A_26 = arith.constant 0 : index
    %swap3A_27 = arith.constant 0 : index
    %swap3A_28 = vector.load %arg8[%swap3A_26, %swap3A_27] : memref<1000x128xf32, #tpu.memory_space<vmem>>, vector<1000x128xf32>
    tpu.vector_store %arg8[%swap3A_26, %swap3A_27], %slice3A_25 {strides = array<i32>} : memref<1000x128xf32, #tpu.memory_space<vmem>>, vector<1000x128xf32>,
    return
  }
  func.func @transform_0(%arg0: i32) -> (i32, i32) {
    %c0_i32 = arith.constant 0 : i32
    %c0_i32_0 = arith.constant 0 : i32
    return %arg0, %c0_i32 : i32, i32
  }
  func.func @transform_1(%arg0: i32) -> (i32, i32) {
    %c0_i32 = arith.constant 0 : i32
    %c0_i32_0 = arith.constant 0 : i32
    %c0_i32_1 = arith.constant 0 : i32
    return %c0_i32, %c0_i32_0 : i32, i32
  }
  func.func @transform_2(%arg0: i32) -> (i32, i32) {
    %c0_i32 = arith.constant 0 : i32
    %c0_i32_0 = arith.constant 0 : i32
    %c0_i32_1 = arith.constant 0 : i32
    return %c0_i32, %c0_i32_0 : i32, i32
  }
  func.func @transform_3(%arg0: i32) -> (i32, i32) {
    %c0_i32 = arith.constant 0 : i32
    %c0_i32_0 = arith.constant 0 : i32
    %c0_i32_1 = arith.constant 0 : i32
    return %c0_i32, %c0_i32_0 : i32, i32
  }
  func.func @transform_4(%arg0: i32) -> (i32, i32) {
    %c0_i32 = arith.constant 0 : i32
    %c0_i32_0 = arith.constant 0 : i32
    return %arg0, %c0_i32 : i32, i32
  }
  func.func @transform_5(%arg0: i32) -> (i32, i32) {
    %c0_i32 = arith.constant 0 : i32
    %c0_i32_0 = arith.constant 0 : i32
    return %arg0, %c0_i32 : i32, i32
  }
  func.func @transform_6(%arg0: i32) -> (i32, i32) {
    %c0_i32 = arith.constant 0 : i32
    %c0_i32_0 = arith.constant 0 : i32
    return %arg0, %c0_i32 : i32, i32
  }
  func.func @transform_7(%arg0: i32) -> (i32, i32) {
    %c0_i32 = arith.constant 0 : i32
    %c0_i32_0 = arith.constant 0 : i32
    return %arg0, %c0_i32 : i32, i32
  }
}

</mosaic_0001>

<sc_bundles>
// kernel: kernel.4.cloned.1.call-start
scs
__scs_entry_jumppad:
0x0: {  	(pc) =	sbr.rel $0x88, $3  }
0x1: {  	(tag) =	ssettag $0x0;
	lr =	simm.s32 $0x1  }
0x2: {  	[smem:$0x3F9C] =	sst lr;
	_ =	strace $0xD0000000  }
0x3: {  	_ = 	snop  }
0x4: {  	_ = 	snop  }
0x5: {  	_ = 	snop  }
0x6: {  	_ = 	snop  }
0x7: {  	_ = 	snop  }
__scs_overlays_trampoline_lowered:
0x8: {  	[smem:$0x3FAB] =	sst s0  }
0x9: {  	[smem:$0x3FAC] =	sst s1  }
0xa: {  	[smem:$0x3FAD] =	sst s2  }
0xb: {  	[smem:$0x3FAE] =	sst s3  }
0xc: {  	[smem:$0x3FAF] =	sst s4  }
0xd: {  	[smem:$0x3FB0] =	sst s5  }
0xe: {  	[smem:$0x3FB1] =	sst s6  }
0xf: {  	[smem:$0x3FB2] =	sst s7  }
0x10: {  	[smem:$0x3FB3] =	sst s8  }
0x11: {  	[smem:$0x3FB4] =	sst s9;
	s0 =	simm.s32 @!p0 $0x0  }
0x12: {  	s1 =	sld [smem:$0x3F9A];
	s0 =	simm.s32 @p0 $0x1  }
0x13: {  	[smem:$0x3FB5] =	sst s0;
	s0 =	simm.s32 @!p1 $0x0  }
0x14: {  	s2 =	sld [smem:$0x3F99];
	s0 =	simm.s32 @p1 $0x1  }
0x15: {  	[smem:$0x3FB6] =	sst s0;
	s0 =	simm.s32 @!p2 $0x0  }
0x16: {  	s3 =	sld [smem:$0x3FDB];
	s0 =	simm.s32 @p2 $0x1  }
0x17: {  	s4 =	simm.s32 $0x1BF5;
	[smem:$0x3FB8] =	sst s0  }
0x18: {  	s0 =	sld [smem:$0x3F9B];
	_ =	swait.ge [sflag:s4], $0x0  }
0x19: {  	s7 =	sld [smem:$0x3F9C]  }
0x1a: {  	s8 =	sadd.s32 $0xFFFFE003, lr  }
0x1b: {  	s9 =	sadd.s32 $0xFFFFFEF7, lr;
	s5 =	simm.s32 $0xFFFFFFFF;
	p2 =	slt.u32 s8, $0xFFFFF086  }
0x1c: {  	p1 =	slt.u32 s9, $0xF7A;
	s5 =	simm.s32 @!p2 $0x0  }
0x1d: {  	s5 =	simm.s32 @p1 $0x1;
	p0 =	seq.s32 s7, s2  }
0x1e: {  	s7 =	smul.u32 @!p0 $0xF7A, s2;
	p2 =	seq.s32 @!p0 s5, $0x0  }
0x1f: {  	s9 =	smul.u32 $0xF7A, s1;
	s8 =	simm.s32 @!p0 $0x1BF5;
	p2 =	por !p2, p0  }
0x20: {  	[sflag:s8] =	ssyncset.s32 @!p0 $0xFFFFF086;
	s6 =	sadd.s32 @!p0 s3, s7;
	s7 =	simm.s32 @!p0 $0x108  }
0x21: {  	s3 =	sadd.s32 s3, s9;
	s6 =	sadd.s32 @!p0 $0x88, s6;
	s7 =	simm.s32 @p2 $0x1082  }
0x22: {  	[simem:s7], [sflag:s8] =	dma.local @!p0 [hbm:s6], $0xF7A  }
0x23: {  	s9 =	sor.u32 $0xD0000000, s2;
	s6 =	simm.s32 $0x108;
	_ =	swait.ge @!p0 [sflag:s8], $0x0  }
0x24: {  	s3 =	sadd.s32 $0x88, s3;
	s6 =	simm.s32 @!p1 $0x1082;
	[sflag:s4] =	ssyncset.s32 $0xFFFFF086  }
0x25: {  	[simem:s6], [sflag:s4] =	dma.local [hbm:s3], $0xF7A  }
0x26: {  	[smem:$0x3F9C] =	sst s1;
	(tag) =	ssettag s2;
	_ =	strace s9  }
0x27: {  	s1 =	sld [smem:$0x3FAC]  }
0x28: {  	s2 =	sld [smem:$0x3FAD]  }
0x29: {  	s4 =	sld [smem:$0x3FAF]  }
0x2a: {  	p0 =	seq.s32 s5, $0x0;
	s5 =	sld [smem:$0x3FB0]  }
0x2b: {  	s6 =	sld [smem:$0x3FB1]  }
0x2c: {  	s7 =	sld [smem:$0x3FB2]  }
0x2d: {  	s3 =	simm.s32 $0x108;
	s8 =	sld [smem:$0x3FB3]  }
0x2e: {  	s3 =	simm.s32 @!p0 $0x1082;
	s9 =	sld [smem:$0x3FB4]  }
0x2f: {  	lr =	sadd.s32 s0, s3;
	s0 =	sld [smem:$0x3FAB]  }
0x30: {  	s3 =	sld [smem:$0x3FAE]  }
0x31: {  	[smem:$0x3FB7] =	sst s10  }
0x32: {  	s10 =	sld [smem:$0x3FB5];
	_ =	sdelay $0x3  }
0x33: {  	p0 =	seq.s32 s10, $0x1;
	s10 =	sld [smem:$0x3FB7];
	_ =	sdelay $0x3  }
0x34: {  	[smem:$0x3FB7] =	sst s10  }
0x35: {  	s10 =	sld [smem:$0x3FB6];
	_ =	sdelay $0x3  }
0x36: {  	p1 =	seq.s32 s10, $0x1;
	s10 =	sld [smem:$0x3FB7];
	_ =	sdelay $0x3  }
0x37: {  	[smem:$0x3FB7] =	sst s10  }
0x38: {  	s10 =	sld [smem:$0x3FB8]  }
0x39: {  	_ = 	snop;
	(pc) =	sbr.ind lr, $3  }
0x3a: {  	_ = 	snop  }
0x3b: {  	_ = 	snop  }
0x3c: {  	p2 =	seq.s32 s10, $0x1;
	s10 =	sld [smem:$0x3FB7]  }
0x3d: {  	_ =	shalt  }
0x3e: {  	_ =	shalt  }
0x3f: {  	_ =	shalt  }
0x40: {  	_ =	shalt  }
0x41: {  	_ =	shalt  }
0x42: {  	_ =	shalt  }
0x43: {  	_ =	shalt  }
0x44: {  	_ =	shalt  }
0x45: {  	_ =	shalt  }
0x46: {  	_ =	shalt  }
0x47: {  	_ =	shalt  }
0x48: {  	_ =	shalt  }
0x49: {  	_ =	shalt  }
0x4a: {  	_ =	shalt  }
0x4b: {  	_ =	shalt  }
0x4c: {  	_ =	shalt  }
0x4d: {  	_ =	shalt  }
0x4e: {  	_ =	shalt  }
0x4f: {  	_ =	shalt  }
0x50: {  	_ =	shalt  }
0x51: {  	_ =	shalt  }
0x52: {  	_ =	shalt  }
0x53: {  	_ =	shalt  }
0x54: {  	_ =	shalt  }
0x55: {  	_ =	shalt  }
0x56: {  	_ =	shalt  }
0x57: {  	_ =	shalt  }
0x58: {  	_ =	shalt  }
0x59: {  	_ =	shalt  }
0x5a: {  	_ =	shalt  }
0x5b: {  	_ =	shalt  }
0x5c: {  	_ =	shalt  }
0x5d: {  	_ =	shalt  }
0x5e: {  	_ =	shalt  }
0x5f: {  	_ =	shalt  }
0x60: {  	_ =	shalt  }
0x61: {  	_ =	shalt  }
0x62: {  	_ =	shalt  }
0x63: {  	_ =	shalt  }
0x64: {  	_ =	shalt  }
0x65: {  	_ =	shalt  }
0x66: {  	_ =	shalt  }
0x67: {  	_ =	shalt  }
0x68: {  	_ =	shalt  }
0x69: {  	_ =	shalt  }
0x6a: {  	_ =	shalt  }
0x6b: {  	_ =	shalt  }
0x6c: {  	_ =	shalt  }
0x6d: {  	_ =	shalt  }
0x6e: {  	_ =	shalt  }
0x6f: {  	_ =	shalt  }
0x70: {  	_ =	shalt  }
0x71: {  	_ =	shalt  }
0x72: {  	_ =	shalt  }
0x73: {  	_ =	shalt  }
0x74: {  	_ =	shalt  }
0x75: {  	_ =	shalt  }
0x76: {  	_ =	shalt  }
0x77: {  	_ =	shalt  }
0x78: {  	_ =	shalt  }
0x79: {  	_ =	shalt  }
0x7a: {  	_ =	shalt  }
0x7b: {  	_ =	shalt  }
0x7c: {  	_ =	shalt  }
0x7d: {  	_ =	shalt  }
0x7e: {  	_ =	shalt  }
0x7f: {  	_ =	shalt  }
0x80: {  	_ =	shalt  }
0x81: {  	_ =	shalt  }
0x82: {  	_ =	shalt  }
0x83: {  	_ =	shalt  }
0x84: {  	_ =	shalt  }
0x85: {  	_ =	shalt  }
0x86: {  	_ =	shalt  }
0x87: {  	_ =	shalt  }
.Lfunc_end0:
.L_simem_size_0:
called_computation_lowered:
.L_overlay_start_0:
0x88: {  	s2 =	sld [smem:$0x3FD9]  }
0x89: {  	s3 =	sld [smem:$0x3FFE];
	_ =	sdelay $0x1  }
0x8a: {  	s1 =	srdreg.scid  }
0x8b: {  	s0 =	sand.u32 $0x1, s1  }
0x8c: {  	s17 =	sshll.u32 s0, $0xA;
	s2 =	sadd.s32 s3, s2  }
0x8d: {  	s2 =	sadd.s32 s2, s17  }
0x8e: {  	[smem:$0x3FC3] =	sst s2  }
0x8f: {  	_ = 	snop  }
0x90: {  	s2 =	sld [smem:$0x3FD0];
	(tm) =	ssettm $0x1  }
0x91: {  	s18 =	sld [smem:$0x3FFB];
	_ =	sdelay $0x3  }
0x92: {  	_ =	strace s18  }
0x93: {  	s3 =	sld [smem:$0x3FFC];
	_ =	sdelay $0x3  }
0x94: {  	_ =	strace s3  }
0x95: {  	s3 =	sld [smem:$0x3FFD];
	_ =	sdelay $0x3  }
0x96: {  	_ =	strace s3  }
0x97: {  	_ =	strace $0x8FFFFFFF  }
0x98: {  	s19 =	sld [smem:$0x3FDB];
	_ =	sdelay $0x1  }
0x99: {  	s4 =	simm.s32 $_scs_section_size  }
0x9a: {  	s5 =	simm.s32 $_size__tile_overlayer_lowered;
	s6 =	simm.s32 $_tile_overlayer_lowered  }
0x9b: {  	s22 =	simm.s32 $0x1BFF;
	s21 =	sshll.u32 s6, $0x1;
	s3 =	sadd.s32 s4, s19  }
0x9c: {  	s7 =	simm.s32 $0x0;
	s20 =	sshll.u32 s5, $0x1;
	s5 =	sadd.s32 s21, s3  }
0x9d: {  	[timem:s7], [sflag:s22] =	dma.local [hbm:s5], s20  }
0x9e: {  	_ =	swait.ge [sflag:s22], s20  }
0x9f: {  	s4 =	ssub.s32 $0x0, s20;
	[sflag:s22] =	ssyncset.done $0x0  }
0xa0: {  	[sflag:s22] =	ssyncadd.s32 s4;
	_ =	sdelay $0x1  }
0xa1: {  	s23 =	simm.s32 $0x1B8B  }
0xa2: {  	_ =	swait.ge [sflag:s23], $0x1  }
0xa3: {  	[sflag:s23] =	ssyncset.done $0x0  }
0xa4: {  	s25 =	simm.s32 $0x1B8E;
	s24 =	sld [smem:$0x3FFE];
	[sflag:s23] =	ssyncadd.s32 $0xFFFFFFFF  }
0xa5: {  	s26 =	simm.s32 $execute0_lowered;
	[smem:$0x3FD2] =	sst s25  }
0xa6: {  	s5 =	sshll.u32 s26, $0x1;
	_ =	strace $0x80000046;
	[dreg:$0x1] =	wrdreg $0xFFFFFFFF  }
0xa7: {  	s28 =	simm.s32 $_size_execute0_lowered;
	s3 =	sadd.s32 s3, s5;
	[dreg:$0x0] =	wrdreg $0x0  }
0xa8: {  	s5 =	sshll.u32 s28, $0x1;
	[dreg:$0x2] =	wrdreg s3  }
0xa9: {  	[dreg:$0x3] =	wrdreg s5  }
0xaa: {  	[dreg:$0x4] =	wrdreg $0xC0  }
0xab: {  	_ =	task [dreg:s7], $0x5FFFF  }
0xac: {  	[dreg:$0x1] =	wrdreg $0xFFFFFFFF  }
0xad: {  	[dreg:$0x0] =	wrdreg $0x60  }
0xae: {  	[dreg:$0x2] =	wrdreg s24  }
0xaf: {  	[dreg:$0x3] =	wrdreg s2  }
0xb0: {  	[dreg:$0x4] =	wrdreg $0x0  }
0xb1: {  	[dreg:$0x5] =	wrdreg $0x9  }
0xb2: {  	_ =	task.clear_ibuf [dreg:s7], $0x6FFFF;
	_ =	strace $0x90000046  }
0xb3: {  	s29 =	simm.s32 $0x9;
	_ =	strace $0x80000048  }
0xb4: {  	_ =	swait.ge [sflag:s29], $0x1  }
0xb5: {  	[sflag:s29] =	ssyncadd.s32 $0xFFFFFFFF  }
0xb6: {  	_ =	strace $0x90000048  }
0xb7: {  	_ =	sfence  }
0xb8: {  	s30 =	sld [smem:$0x0];
	_ =	sdelay $0x2  }
0xb9: {  	s31 =	sshll.u32 s1, $0xD;
	s1 =	sshrl.u32 s1, $0x2  }
0xba: {  	s3 =	sand.u32 $0x4000, s31;
	s1 =	sadd.s32 s1, s30  }
0xbb: {  	s0 =	sor.u32 s3, s0;
	s1 =	sshll.u32 s1, $0x11  }
0xbc: {  	s0 =	sor.u32 s1, s0  }
0xbd: {  	s0 =	sadd.s32 $0x8F2B, s0  }
0xbe: {  	[sflag:s0] =	ssyncadd.remote.s32 $0x1  }
0xbf: {  	_ =	sfence.sel $0xFFFF  }
0xc0: {  	[dreg:$0x0] =	wrdreg $0xFFFFFFFF;
	(pc) =	sbr.abs _section_cstart, $3  }
0xc1: {  	[dreg:$0x1] =	wrdreg $0xFFFFFFFF  }
0xc2: {  	_ =	task.clear_ibuf [dreg:s7], $0x2FFFF;
	_ =	strace $0x9FFFFFFF  }
0xc3: {  	(tm) =	ssettm $0x7FFFFFFF  }
tec
execute0_lowered:
.L_overlay_start_1:
0x0: {  	(tag) =	ssettag $0x1  }
0x1: {  	s0 =	rddreg [dreg:$0x0]  }
0x2: {  	s4 =	rddreg [dreg:$0x1]  }
0x3: {  	s1 =	rddreg [dreg:$0x2]  }
0x4: {  	s2 =	simm.s32 $0x0;
	s17 =	stileid.u32;
	s10 =	srdreg.scid  }
0x5: {  	s28 =	simm.s32 $0x19400;
	s29 =	simm.s32 $0x1;
	s30 =	simm.s32 $0x2  }
0x6: {  	s31 =	simm.s32 $0x17400;
	[smem:$0x7FF] =	sst s2;
	s3 =	sadd.s32 $0x94400, s0  }
0x7: {  	s5 =	sadd.s32 $0x1EE00, s0;
	s6 =	sadd.s32 $0x46000, s0;
	s7 =	sadd.s32 $0x6D200, s0  }
0x8: {  	s8 =	sadd.s32 $0x14E00, s0;
	s9 =	sadd.s32 $0xAE00, s0;
	s11 =	smul.u32 $0x4F000, s17  }
0x9: {  	s12 =	sand.u32 $0x1, s10;
	s10 =	sadd.s32 $0xE00, s0;
	s13 =	smul.u32 $0x2780, s17  }
0xa: {  	s16 =	smul.u32 $0x4F00, s17;
	s21 =	sshll.u32 s17, $0x6;
	s23 =	sadd.s32 $0x4A180, s4  }
0xb: {  	s24 =	sadd.s32 $0x4A100, s4;
	_ =	strace $0x80000047;
	[dreg:$0x8] =	wrdreg s23  }
0xc: {  	p1 =	seq.s32 s17, $0xF;
	s14 =	ssub.s32 $0x2, s12;
	[dreg:$0x9] =	wrdreg s24  }
0xd: {  	p0 =	sne.s32 s12, $0x0;
	s23 =	simm.s32 $0x14400;
	s24 =	simm.s32 $0x14C00  }
0xe: {  	s15 =	sshrl.u32 s14, $0x1;
	s11 =	sshrl.u32 s11, $0x2;
	s0 =	sadd.s32 s13, s0  }
0xf: {  	s16 =	sadd.s32 s4, s16;
	s20 =	ssub.s32 s14, s15;
	s11 =	sadd.s32 s11, s1  }
0x10: {  	s0 =	sadd.s32 $0xBB600, s0;
	s14 =	sor.u32 $0x1C07, s21;
	[dreg:$0x6] =	wrdreg s16  }
.Ltmp0:
0x11: {  	s22 =	sadd.s32 $0x80, s16;
	[dreg:$0x5] =	wrdreg s0;
	(pc) =	sbr.rel .LBB2_1-.Ltmp0, $4  }
0x12: {  	s15 =	smul.u32 $0x5000, s17;
	s21 =	simm.s32 $0x7;
	[dreg:$0x7] =	wrdreg s22  }
0x13: {  	s25 =	smax.u32 s20, $0x1;
	[dreg:$0x4] =	wrdreg s11;
	s26 =	sshrl.u32 s11, $0x3  }
0x14: {  	s22 =	simm.s32 $0x13C00;
	s0 =	simm.s32 $0x1B400;
	[dreg:$0xa] =	wrdreg s25  }
0x15: {  	[dreg:$0xb] =	wrdreg s26;
	s25 =	simm.s32 $0x40;
	s26 =	simm.s32 $0x15400  }
.LBB2_10:
0x16: {  	s2 =	sadd.s32 $0x1, s2;
	s4 =	rddreg [dreg:$0xa]  }
0x17: {  	p2 =	sne.s32 s2, s4  }
.Ltmp1:
0x18: {  	_ = 	snop;
	(pc) =	sbr.rel @!p2 .LBB2_11-.Ltmp1, $1  }
0x19: {  	_ =	sdelay $0x3  }
.LBB2_1:
0x1a: {  	s4 =	rddreg [dreg:$0x5]  }
0x1b: {  	s11 =	rddreg [dreg:$0xb]  }
0x1c: {  	[spmem:s11], [sflag:s14] =	dma.local [hbm:s4], $0x2780  }
0x1d: {  	_ =	swait.ge [sflag:s21], $0x2780  }
.Ltmp2:
0x1e: {  	[sflag:s21] =	ssyncset.done $0x0;
	(pc) =	sbr.rel @p0 .LBB2_6-.Ltmp2, $4  }
0x1f: {  	[sflag:s21] =	ssyncadd.s32 $0xFFFFD880  }
0x20: {  	[bflag:$0x0] =	sbarrier.arrive $0xFFFF  }
0x21: {  	s19 =	simm.s32 $0x0;
	s4 =	rddreg [dreg:$0x4]  }
0x22: {  	s20 =	simm.s32 $0x0;
	s12 =	sshrl.u32 @p1 s4, $0x3;
	s13 =	sshrl.u32 @!p1 s4, $0x3  }
.LBB2_2:
0x23: {  	s4 =	sshll.u32 s19, $0xB  }
0x24: {  	s4 =	sadd.s32 s15, s4  }
0x25: {  	s4 =	sshrl.u32 s4, $0x3  }
0x26: {  	s17 =	simm.s32 $0x0;
	s16 =	sadd.s32 s8, s4  }
0x27: {  	[tilespmem:s22], [sflag:$0x7] =	stream.linear.gather [hbm4b:s16+s17], $0x800, $0x38;
	[tilespmem:$0x1D400] =	vst v63  }
0x28: {  	_ =	swait.ge [sflag:s21], $0x800  }
0x29: {  	[sflag:s21] =	ssyncset.done $0x0  }
0x2a: {  	s18 =	sadd.s32 s9, s4;
	[sflag:s21] =	ssyncadd.s32 $0xFFFFF800  }
0x2b: {  	[tilespmem:s23], [sflag:$0x7] =	stream.linear.gather [hbm4b:s18+s17], $0x800, $0x38;
	[tilespmem:$0x1D400] =	vst v63  }
0x2c: {  	_ =	swait.ge [sflag:s21], $0x800  }
0x2d: {  	[sflag:s21] =	ssyncset.done $0x0  }
0x2e: {  	s4 =	sadd.s32 s10, s4;
	[sflag:s21] =	ssyncadd.s32 $0xFFFFF800  }
0x2f: {  	[tilespmem:s24], [sflag:$0x7] =	stream.linear.gather [hbm4b:s4+s17], $0x800, $0x38;
	[tilespmem:$0x1D400] =	vst v63  }
0x30: {  	s20 =	sor.u32 s19, s17;
	_ =	swait.ge [sflag:s21], $0x800  }
0x31: {  	p2 =	seq.s32 s20, $0x0;
	[sflag:s21] =	ssyncset.done $0x0  }
0x32: {  	s4 =	simm.s32 @!p2 $0x3;
	[sflag:s21] =	ssyncadd.s32 $0xFFFFF800  }
0x33: {  	_ =	swait.ge @!p2 [sflag:s4], $0x2000  }
0x34: {  	[sflag:s4] =	ssyncset.done @!p2 $0x0  }
0x35: {  	[sflag:s4] =	ssyncadd.s32 @!p2 $0xFFFFE000;
	s4 =	simm.s32 @!p2 $0x5  }
0x36: {  	_ =	swait.ge @!p2 [sflag:s4], $0x2000  }
0x37: {  	[sflag:s4] =	ssyncset.done @!p2 $0x0  }
0x38: {  	s11 =	simm.s32 $0x14C00;
	[sflag:s4] =	ssyncadd.s32 @!p2 $0xFFFFE000  }
0x39: {  	[tilespmem:s26], [sflag:$0x1] =	stream.indirect.gather [hbm4b:s3+s25], $0x80, s11, s25, $0xb8;
	[tilespmem:$0x1D400] =	vst v63  }
0x3a: {  	s16 =	simm.s32 $0x14400  }
0x3b: {  	[tilespmem:s28], [sflag:$0x2] =	stream.indirect.gather [hbm4b:s6+s25], $0x80, s16, s25, $0xb8;
	[tilespmem:$0x1D400] =	vst v63  }
0x3c: {  	_ =	swait.ge [sflag:s29], $0x2000  }
0x3d: {  	[sflag:s29] =	ssyncset.done $0x0  }
0x3e: {  	[sflag:s29] =	ssyncadd.s32 $0xFFFFE000  }
0x3f: {  	_ =	swait.ge [sflag:s30], $0x2000  }
0x40: {  	[sflag:s30] =	ssyncset.done $0x0  }
0x41: {  	s17 =	simm.s32 $0x13C00;
	[sflag:s30] =	ssyncadd.s32 $0xFFFFE000  }
0x42: {  	[spmem:s1] =	stream.indirect.scatter.add.f32 [tilespmem:s26], [sflag:$0x3], $0x80, s17, s25, $0xb8;
	[tilespmem:$0x1D400] =	vst v63  }
0x43: {  	s16 =	simm.s32 @!p2 $0x4  }
0x44: {  	[spmem:s1] =	stream.indirect.scatter.add.f32 [tilespmem:s28], [sflag:$0x5], $0x80, s17, s25, $0xb8;
	[tilespmem:$0x1D400] =	vst v63  }
0x45: {  	_ =	swait.ge @!p2 [sflag:s16], $0x2000  }
0x46: {  	[sflag:s16] =	ssyncset.done @!p2 $0x0  }
0x47: {  	s4 =	simm.s32 @!p2 $0x6;
	[sflag:s16] =	ssyncadd.s32 @!p2 $0xFFFFE000  }
0x48: {  	_ =	swait.ge @!p2 [sflag:s4], $0x2000  }
0x49: {  	[sflag:s4] =	ssyncset.done @!p2 $0x0  }
0x4a: {  	s18 =	simm.s32 $0x14C80;
	[sflag:s4] =	ssyncadd.s32 @!p2 $0xFFFFE000  }
0x4b: {  	[tilespmem:s31], [sflag:$0x1] =	stream.indirect.gather [hbm4b:s3+s25], $0x80, s18, s25, $0xb8;
	[tilespmem:$0x1D400] =	vst v63  }
0x4c: {  	s20 =	simm.s32 $0x14480  }
0x4d: {  	[tilespmem:s0], [sflag:$0x2] =	stream.indirect.gather [hbm4b:s6+s25], $0x80, s20, s25, $0xb8;
	[tilespmem:$0x1D400] =	vst v63  }
0x4e: {  	_ =	swait.ge [sflag:s29], $0x2000  }
0x4f: {  	[sflag:s29] =	ssyncset.done $0x0  }
0x50: {  	[sflag:s29] =	ssyncadd.s32 $0xFFFFE000  }
0x51: {  	s17 =	simm.s32 $0x13C80;
	s4 =	simm.s32 $0x1;
	_ =	swait.ge [sflag:s30], $0x2000  }
0x52: {  	s16 =	simm.s32 $0x800;
	s18 =	sor.u32 s19, s4;
	[sflag:s30] =	ssyncset.done $0x0  }
0x53: {  	p2 =	seq.s32 s18, $0x0;
	s20 =	simm.s32 $0x400;
	[sflag:s30] =	ssyncadd.s32 $0xFFFFE000  }
.LBB2_3:
0x54: {  	[spmem:s1] =	stream.indirect.scatter.add.f32 [tilespmem:s31], [sflag:$0x4], $0x80, s17, s25, $0xb8;
	[tilespmem:$0x1D400] =	vst v63  }
0x55: {  	s18 =	simm.s32 @!p2 $0x3;
	s11 =	smov.u32 s16;
	s16 =	sadd.s32 $0x400, s16  }
0x56: {  	[spmem:s1] =	stream.indirect.scatter.add.f32 [tilespmem:s0], [sflag:$0x6], $0x80, s17, s25, $0xb8;
	[tilespmem:$0x1D400] =	vst v63  }
0x57: {  	p3 =	sne.s32 s16, $0x2000;
	_ =	swait.ge @!p2 [sflag:s18], $0x2000  }
0x58: {  	[sflag:s18] =	ssyncset.done @!p2 $0x0  }
0x59: {  	s17 =	simm.s32 @!p2 $0x5;
	[sflag:s18] =	ssyncadd.s32 @!p2 $0xFFFFE000  }
0x5a: {  	_ =	swait.ge @!p2 [sflag:s17], $0x2000  }
0x5b: {  	s18 =	sshra.s32 s20, $0x2;
	s20 =	smov.u32 s11;
	[sflag:s17] =	ssyncset.done @!p2 $0x0  }
0x5c: {  	s11 =	sadd.s32 $0x14C00, s18;
	[sflag:s17] =	ssyncadd.s32 @!p2 $0xFFFFE000  }
0x5d: {  	[tilespmem:s26], [sflag:$0x1] =	stream.indirect.gather [hbm4b:s3+s25], $0x80, s11, s25, $0xb8;
	[tilespmem:$0x1D400] =	vst v63  }
0x5e: {  	s11 =	sadd.s32 $0x14400, s18  }
0x5f: {  	[tilespmem:s28], [sflag:$0x2] =	stream.indirect.gather [hbm4b:s6+s25], $0x80, s11, s25, $0xb8;
	[tilespmem:$0x1D400] =	vst v63  }
0x60: {  	_ =	swait.ge [sflag:s29], $0x2000  }
0x61: {  	[sflag:s29] =	ssyncset.done $0x0  }
0x62: {  	[sflag:s29] =	ssyncadd.s32 $0xFFFFE000  }
0x63: {  	_ =	swait.ge [sflag:s30], $0x2000  }
0x64: {  	[sflag:s30] =	ssyncset.done $0x0  }
0x65: {  	s11 =	sadd.s32 $0x13C00, s18;
	[sflag:s30] =	ssyncadd.s32 $0xFFFFE000  }
0x66: {  	[spmem:s1] =	stream.indirect.scatter.add.f32 [tilespmem:s26], [sflag:$0x3], $0x80, s11, s25, $0xb8;
	[tilespmem:$0x1D400] =	vst v63  }
0x67: {  	s17 =	simm.s32 @!p2 $0x4  }
0x68: {  	[spmem:s1] =	stream.indirect.scatter.add.f32 [tilespmem:s28], [sflag:$0x5], $0x80, s11, s25, $0xb8;
	[tilespmem:$0x1D400] =	vst v63  }
0x69: {  	_ =	swait.ge @!p2 [sflag:s17], $0x2000  }
0x6a: {  	[sflag:s17] =	ssyncset.done @!p2 $0x0  }
0x6b: {  	s11 =	simm.s32 @!p2 $0x6;
	[sflag:s17] =	ssyncadd.s32 @!p2 $0xFFFFE000  }
0x6c: {  	_ =	swait.ge @!p2 [sflag:s11], $0x2000  }
0x6d: {  	[sflag:s11] =	ssyncset.done @!p2 $0x0  }
0x6e: {  	[sflag:s11] =	ssyncadd.s32 @!p2 $0xFFFFE000;
	s11 =	sadd.s32 $0x14C80, s18  }
0x6f: {  	[tilespmem:s31], [sflag:$0x1] =	stream.indirect.gather [hbm4b:s3+s25], $0x80, s11, s25, $0xb8;
	[tilespmem:$0x1D400] =	vst v63  }
0x70: {  	s11 =	sadd.s32 $0x14480, s18  }
0x71: {  	[tilespmem:s0], [sflag:$0x2] =	stream.indirect.gather [hbm4b:s6+s25], $0x80, s11, s25, $0xb8;
	[tilespmem:$0x1D400] =	vst v63  }
0x72: {  	_ =	swait.ge [sflag:s29], $0x2000  }
.Ltmp3:
0x73: {  	[sflag:s29] =	ssyncset.done $0x0;
	(pc) =	sbr.rel @p3 .LBB2_3-.Ltmp3, $4  }
0x74: {  	[sflag:s29] =	ssyncadd.s32 $0xFFFFE000  }
0x75: {  	s4 =	sadd.s32 $0x1, s4;
	_ =	swait.ge [sflag:s30], $0x2000  }
0x76: {  	s17 =	sadd.s32 $0x13C80, s18;
	s11 =	sor.u32 s19, s4;
	[sflag:s30] =	ssyncset.done $0x0  }
0x77: {  	p2 =	seq.s32 s11, $0x0;
	[sflag:s30] =	ssyncadd.s32 $0xFFFFE000  }
0x78: {  	[spmem:s1] =	stream.indirect.scatter.add.f32 [tilespmem:s31], [sflag:$0x4], $0x80, s17, s25, $0xb8;
	[tilespmem:$0x1D400] =	vst v63  }
0x79: {  	s4 =	simm.s32 @!p2 $0x3  }
0x7a: {  	[spmem:s1] =	stream.indirect.scatter.add.f32 [tilespmem:s0], [sflag:$0x6], $0x80, s17, s25, $0xb8;
	[tilespmem:$0x1D400] =	vst v63  }
0x7b: {  	_ =	swait.ge @!p2 [sflag:s4], $0x2000  }
0x7c: {  	[sflag:s4] =	ssyncset.done @!p2 $0x0  }
0x7d: {  	[sflag:s4] =	ssyncadd.s32 @!p2 $0xFFFFE000;
	s4 =	simm.s32 @!p2 $0x5  }
0x7e: {  	_ =	swait.ge @!p2 [sflag:s4], $0x2000  }
0x7f: {  	s11 =	sshra.s32 s20, $0x2;
	[sflag:s4] =	ssyncset.done @!p2 $0x0  }
0x80: {  	s17 =	sadd.s32 $0x14C00, s11;
	[sflag:s4] =	ssyncadd.s32 @!p2 $0xFFFFE000  }
0x81: {  	[tilespmem:s26], [sflag:$0x1] =	stream.indirect.gather [hbm4b:s3+s25], $0x80, s17, s25, $0xb8;
	[tilespmem:$0x1D400] =	vst v63  }
0x82: {  	s18 =	sadd.s32 $0x14400, s11  }
0x83: {  	[tilespmem:s28], [sflag:$0x2] =	stream.indirect.gather [hbm4b:s6+s25], $0x80, s18, s25, $0xb8;
	[tilespmem:$0x1D400] =	vst v63  }
0x84: {  	_ =	swait.ge [sflag:s29], $0x2000  }
0x85: {  	[sflag:s29] =	ssyncset.done $0x0  }
0x86: {  	[sflag:s29] =	ssyncadd.s32 $0xFFFFE000  }
0x87: {  	_ =	swait.ge [sflag:s30], $0x2000  }
0x88: {  	[sflag:s30] =	ssyncset.done $0x0  }
0x89: {  	s20 =	sadd.s32 $0x13C00, s11;
	[sflag:s30] =	ssyncadd.s32 $0xFFFFE000  }
0x8a: {  	[spmem:s1] =	stream.indirect.scatter.add.f32 [tilespmem:s26], [sflag:$0x3], $0x80, s20, s25, $0xb8;
	[tilespmem:$0x1D400] =	vst v63  }
0x8b: {  	s16 =	simm.s32 @!p2 $0x4  }
0x8c: {  	[spmem:s1] =	stream.indirect.scatter.add.f32 [tilespmem:s28], [sflag:$0x5], $0x80, s20, s25, $0xb8;
	[tilespmem:$0x1D400] =	vst v63  }
0x8d: {  	_ =	swait.ge @!p2 [sflag:s16], $0x2000  }
0x8e: {  	[sflag:s16] =	ssyncset.done @!p2 $0x0  }
0x8f: {  	s4 =	simm.s32 @!p2 $0x6;
	[sflag:s16] =	ssyncadd.s32 @!p2 $0xFFFFE000  }
0x90: {  	_ =	swait.ge @!p2 [sflag:s4], $0x2000  }
0x91: {  	[sflag:s4] =	ssyncset.done @!p2 $0x0  }
0x92: {  	s17 =	sadd.s32 $0x14C80, s11;
	[sflag:s4] =	ssyncadd.s32 @!p2 $0xFFFFE000  }
0x93: {  	[tilespmem:s31], [sflag:$0x1] =	stream.indirect.gather [hbm4b:s3+s25], $0x80, s17, s25, $0xb8;
	[tilespmem:$0x1D400] =	vst v63  }
0x94: {  	s18 =	sadd.s32 $0x14480, s11  }
0x95: {  	[tilespmem:s0], [sflag:$0x2] =	stream.indirect.gather [hbm4b:s6+s25], $0x80, s18, s25, $0xb8;
	[tilespmem:$0x1D400] =	vst v63  }
0x96: {  	_ =	swait.ge [sflag:s29], $0x2000  }
0x97: {  	[sflag:s29] =	ssyncset.done $0x0  }
0x98: {  	s19 =	sadd.s32 $0x1, s19;
	[sflag:s29] =	ssyncadd.s32 $0xFFFFE000  }
0x99: {  	p2 =	sne.s32 s19, $0xA;
	_ =	swait.ge [sflag:s30], $0x2000  }
.Ltmp4:
0x9a: {  	[sflag:s30] =	ssyncset.done $0x0;
	(pc) =	sbr.rel @p2 .LBB2_2-.Ltmp4, $4  }
0x9b: {  	s20 =	sadd.s32 $0x13C80, s11;
	[sflag:s30] =	ssyncadd.s32 $0xFFFFE000  }
0x9c: {  	[spmem:s1] =	stream.indirect.scatter.add.f32 [tilespmem:s31], [sflag:$0x4], $0x80, s20, s25, $0xb8;
	[tilespmem:$0x1D400] =	vst v63  }
0x9d: {  	_ = 	snop  }
0x9e: {  	[spmem:s1] =	stream.indirect.scatter.add.f32 [tilespmem:s0], [sflag:$0x6], $0x80, s20, s25, $0xb8;
	[tilespmem:$0x1D400] =	vst v63  }
0x9f: {  	s4 =	simm.s32 $0x3  }
0xa0: {  	_ =	swait.ge [sflag:s4], $0x2000  }
0xa1: {  	[sflag:s4] =	ssyncset.done $0x0  }
0xa2: {  	s18 =	simm.s32 $0x5;
	[sflag:s4] =	ssyncadd.s32 $0xFFFFE000  }
0xa3: {  	_ =	swait.ge [sflag:s18], $0x2000  }
0xa4: {  	[sflag:s18] =	ssyncset.done $0x0  }
0xa5: {  	s19 =	simm.s32 $0x4;
	[sflag:s18] =	ssyncadd.s32 $0xFFFFE000  }
0xa6: {  	_ =	swait.ge [sflag:s19], $0x2000  }
0xa7: {  	[sflag:s19] =	ssyncset.done $0x0  }
0xa8: {  	s20 =	simm.s32 $0x6;
	[sflag:s19] =	ssyncadd.s32 $0xFFFFE000  }
0xa9: {  	_ =	swait.ge [sflag:s20], $0x2000  }
0xaa: {  	[sflag:s20] =	ssyncset.done $0x0  }
0xab: {  	[sflag:s20] =	ssyncadd.s32 $0xFFFFE000  }
0xac: {  	s11 =	simm.s32 @p1 $0x100;
	[bflag:$0x0] =	sbarrier.arrive $0xFFFF  }
0xad: {  	s16 =	simm.s32 @p1 $0x80;
	s4 =	simm.s32 @p1 $0x8;
	s17 =	rddreg [dreg:$0x9]  }
0xae: {  	[hbm:s17@s11], [sflag:s14] =	dma.strided @p1 [spmem:s12@s16], $0x2080, s4, $0x10   }
0xaf: {  	s4 =	simm.s32 @p1 $0x7  }
0xb0: {  	_ =	swait.ge @p1 [sflag:s4], $0x2080  }
0xb1: {  	s11 =	simm.s32 @!p1 $0x100;
	s12 =	simm.s32 @!p1 $0x80;
	[sflag:s4] =	ssyncset.done @p1 $0x0  }
0xb2: {  	s16 =	rddreg [dreg:$0x6];
	[sflag:s4] =	ssyncadd.s32 @p1 $0xFFFFDF80;
	s4 =	simm.s32 @!p1 $0x8  }
0xb3: {  	[hbm:s16@s11], [sflag:s14] =	dma.strided @!p1 [spmem:s13@s12], $0x2780, s4, $0x10   }
.Ltmp5:
0xb4: {  	_ = 	snop;
	(pc) =	sbr.rel .LBB2_10-.Ltmp5, $4  }
0xb5: {  	s4 =	simm.s32 @!p1 $0x7  }
0xb6: {  	_ =	swait.ge @!p1 [sflag:s4], $0x2780  }
0xb7: {  	[sflag:s4] =	ssyncset.done @!p1 $0x0  }
0xb8: {  	[sflag:s4] =	ssyncadd.s32 @!p1 $0xFFFFD880  }
.LBB2_6:
0xb9: {  	s4 =	sshll.u32 s20, $0xB  }
0xba: {  	s4 =	sadd.s32 s15, s4  }
0xbb: {  	s4 =	sshrl.u32 s4, $0x3  }
0xbc: {  	s16 =	simm.s32 $0x0;
	s11 =	sadd.s32 s8, s4  }
0xbd: {  	[tilespmem:s22], [sflag:$0x7] =	stream.linear.gather [hbm4b:s11+s16], $0x800, $0x38;
	[tilespmem:$0x1D400] =	vst v63  }
0xbe: {  	_ =	swait.ge [sflag:s21], $0x800  }
0xbf: {  	[sflag:s21] =	ssyncset.done $0x0  }
0xc0: {  	s19 =	sadd.s32 s9, s4;
	[sflag:s21] =	ssyncadd.s32 $0xFFFFF800  }
0xc1: {  	[tilespmem:s23], [sflag:$0x7] =	stream.linear.gather [hbm4b:s19+s16], $0x800, $0x38;
	[tilespmem:$0x1D400] =	vst v63  }
0xc2: {  	_ =	swait.ge [sflag:s21], $0x800  }
0xc3: {  	[sflag:s21] =	ssyncset.done $0x0  }
0xc4: {  	s4 =	sadd.s32 s10, s4;
	[sflag:s21] =	ssyncadd.s32 $0xFFFFF800  }
0xc5: {  	[tilespmem:s24], [sflag:$0x7] =	stream.linear.gather [hbm4b:s4+s16], $0x800, $0x38;
	[tilespmem:$0x1D400] =	vst v63  }
0xc6: {  	s16 =	sor.u32 s20, s16;
	_ =	swait.ge [sflag:s21], $0x800  }
0xc7: {  	p2 =	seq.s32 s16, $0x0;
	[sflag:s21] =	ssyncset.done $0x0  }
0xc8: {  	s4 =	simm.s32 @!p2 $0x3;
	[sflag:s21] =	ssyncadd.s32 $0xFFFFF800  }
0xc9: {  	_ =	swait.ge @!p2 [sflag:s4], $0x2000  }
0xca: {  	[sflag:s4] =	ssyncset.done @!p2 $0x0  }
0xcb: {  	[sflag:s4] =	ssyncadd.s32 @!p2 $0xFFFFE000;
	s4 =	simm.s32 @!p2 $0x5  }
0xcc: {  	_ =	swait.ge @!p2 [sflag:s4], $0x2000  }
0xcd: {  	[sflag:s4] =	ssyncset.done @!p2 $0x0  }
0xce: {  	s17 =	simm.s32 $0x14C00;
	[sflag:s4] =	ssyncadd.s32 @!p2 $0xFFFFE000  }
0xcf: {  	[tilespmem:s26], [sflag:$0x1] =	stream.indirect.gather [hbm4b:s5+s25], $0x80, s17, s25, $0xb8;
	[tilespmem:$0x1D400] =	vst v63  }
0xd0: {  	s18 =	simm.s32 $0x14400  }
0xd1: {  	[tilespmem:s28], [sflag:$0x2] =	stream.indirect.gather [hbm4b:s7+s25], $0x80, s18, s25, $0xb8;
	[tilespmem:$0x1D400] =	vst v63  }
0xd2: {  	_ =	swait.ge [sflag:s29], $0x2000  }
0xd3: {  	[sflag:s29] =	ssyncset.done $0x0  }
0xd4: {  	[sflag:s29] =	ssyncadd.s32 $0xFFFFE000  }
0xd5: {  	_ =	swait.ge [sflag:s30], $0x2000  }
0xd6: {  	[sflag:s30] =	ssyncset.done $0x0  }
0xd7: {  	s19 =	simm.s32 $0x13C00;
	[sflag:s30] =	ssyncadd.s32 $0xFFFFE000  }
0xd8: {  	[spmem:s1] =	stream.indirect.scatter.add.f32 [tilespmem:s26], [sflag:$0x3], $0x80, s19, s25, $0xb8;
	[tilespmem:$0x1D400] =	vst v63  }
0xd9: {  	s11 =	simm.s32 @!p2 $0x4  }
0xda: {  	[spmem:s1] =	stream.indirect.scatter.add.f32 [tilespmem:s28], [sflag:$0x5], $0x80, s19, s25, $0xb8;
	[tilespmem:$0x1D400] =	vst v63  }
0xdb: {  	_ =	swait.ge @!p2 [sflag:s11], $0x2000  }
0xdc: {  	[sflag:s11] =	ssyncset.done @!p2 $0x0  }
0xdd: {  	s4 =	simm.s32 @!p2 $0x6;
	[sflag:s11] =	ssyncadd.s32 @!p2 $0xFFFFE000  }
0xde: {  	_ =	swait.ge @!p2 [sflag:s4], $0x2000  }
0xdf: {  	[sflag:s4] =	ssyncset.done @!p2 $0x0  }
0xe0: {  	s16 =	simm.s32 $0x14C80;
	[sflag:s4] =	ssyncadd.s32 @!p2 $0xFFFFE000  }
0xe1: {  	[tilespmem:s31], [sflag:$0x1] =	stream.indirect.gather [hbm4b:s5+s25], $0x80, s16, s25, $0xb8;
	[tilespmem:$0x1D400] =	vst v63  }
0xe2: {  	s17 =	simm.s32 $0x14480  }
0xe3: {  	[tilespmem:s0], [sflag:$0x2] =	stream.indirect.gather [hbm4b:s7+s25], $0x80, s17, s25, $0xb8;
	[tilespmem:$0x1D400] =	vst v63  }
0xe4: {  	_ =	swait.ge [sflag:s29], $0x2000  }
0xe5: {  	[sflag:s29] =	ssyncset.done $0x0  }
0xe6: {  	[sflag:s29] =	ssyncadd.s32 $0xFFFFE000  }
0xe7: {  	s19 =	simm.s32 $0x400;
	s4 =	simm.s32 $0x1;
	_ =	swait.ge [sflag:s30], $0x2000  }
0xe8: {  	s16 =	simm.s32 $0x800;
	s18 =	sor.u32 s20, s4;
	[sflag:s30] =	ssyncset.done $0x0  }
0xe9: {  	p2 =	seq.s32 s18, $0x0;
	s17 =	simm.s32 $0x13C80;
	[sflag:s30] =	ssyncadd.s32 $0xFFFFE000  }
.LBB2_7:
0xea: {  	[spmem:s1] =	stream.indirect.scatter.add.f32 [tilespmem:s31], [sflag:$0x4], $0x80, s17, s25, $0xb8;
	[tilespmem:$0x1D400] =	vst v63  }
0xeb: {  	s11 =	simm.s32 @!p2 $0x3;
	s18 =	smov.u32 s16;
	s16 =	sadd.s32 $0x400, s16  }
0xec: {  	[spmem:s1] =	stream.indirect.scatter.add.f32 [tilespmem:s0], [sflag:$0x6], $0x80, s17, s25, $0xb8;
	[tilespmem:$0x1D400] =	vst v63  }
0xed: {  	p3 =	sne.s32 s16, $0x2000;
	_ =	swait.ge @!p2 [sflag:s11], $0x2000  }
0xee: {  	[sflag:s11] =	ssyncset.done @!p2 $0x0  }
0xef: {  	[sflag:s11] =	ssyncadd.s32 @!p2 $0xFFFFE000;
	s11 =	simm.s32 @!p2 $0x5  }
0xf0: {  	_ =	swait.ge @!p2 [sflag:s11], $0x2000  }
0xf1: {  	s17 =	sshra.s32 s19, $0x2;
	s19 =	smov.u32 s18;
	[sflag:s11] =	ssyncset.done @!p2 $0x0  }
0xf2: {  	[sflag:s11] =	ssyncadd.s32 @!p2 $0xFFFFE000;
	s11 =	sadd.s32 $0x14C00, s17  }
0xf3: {  	[tilespmem:s26], [sflag:$0x1] =	stream.indirect.gather [hbm4b:s5+s25], $0x80, s11, s25, $0xb8;
	[tilespmem:$0x1D400] =	vst v63  }
0xf4: {  	s11 =	sadd.s32 $0x14400, s17  }
0xf5: {  	[tilespmem:s28], [sflag:$0x2] =	stream.indirect.gather [hbm4b:s7+s25], $0x80, s11, s25, $0xb8;
	[tilespmem:$0x1D400] =	vst v63  }
0xf6: {  	_ =	swait.ge [sflag:s29], $0x2000  }
0xf7: {  	[sflag:s29] =	ssyncset.done $0x0  }
0xf8: {  	[sflag:s29] =	ssyncadd.s32 $0xFFFFE000  }
0xf9: {  	_ =	swait.ge [sflag:s30], $0x2000  }
0xfa: {  	[sflag:s30] =	ssyncset.done $0x0  }
0xfb: {  	s11 =	sadd.s32 $0x13C00, s17;
	[sflag:s30] =	ssyncadd.s32 $0xFFFFE000  }
0xfc: {  	[spmem:s1] =	stream.indirect.scatter.add.f32 [tilespmem:s26], [sflag:$0x3], $0x80, s11, s25, $0xb8;
	[tilespmem:$0x1D400] =	vst v63  }
0xfd: {  	s18 =	simm.s32 @!p2 $0x4  }
0xfe: {  	[spmem:s1] =	stream.indirect.scatter.add.f32 [tilespmem:s28], [sflag:$0x5], $0x80, s11, s25, $0xb8;
	[tilespmem:$0x1D400] =	vst v63  }
0xff: {  	_ =	swait.ge @!p2 [sflag:s18], $0x2000  }
0x100: {  	[sflag:s18] =	ssyncset.done @!p2 $0x0  }
0x101: {  	s11 =	simm.s32 @!p2 $0x6;
	[sflag:s18] =	ssyncadd.s32 @!p2 $0xFFFFE000  }
0x102: {  	_ =	swait.ge @!p2 [sflag:s11], $0x2000  }
0x103: {  	[sflag:s11] =	ssyncset.done @!p2 $0x0  }
0x104: {  	[sflag:s11] =	ssyncadd.s32 @!p2 $0xFFFFE000;
	s11 =	sadd.s32 $0x14C80, s17  }
0x105: {  	[tilespmem:s31], [sflag:$0x1] =	stream.indirect.gather [hbm4b:s5+s25], $0x80, s11, s25, $0xb8;
	[tilespmem:$0x1D400] =	vst v63  }
0x106: {  	s11 =	sadd.s32 $0x14480, s17  }
0x107: {  	[tilespmem:s0], [sflag:$0x2] =	stream.indirect.gather [hbm4b:s7+s25], $0x80, s11, s25, $0xb8;
	[tilespmem:$0x1D400] =	vst v63  }
0x108: {  	_ =	swait.ge [sflag:s29], $0x2000  }
.Ltmp6:
0x109: {  	[sflag:s29] =	ssyncset.done $0x0;
	(pc) =	sbr.rel @p3 .LBB2_7-.Ltmp6, $4  }
0x10a: {  	[sflag:s29] =	ssyncadd.s32 $0xFFFFE000  }
0x10b: {  	s4 =	sadd.s32 $0x1, s4;
	_ =	swait.ge [sflag:s30], $0x2000  }
0x10c: {  	s17 =	sadd.s32 $0x13C80, s17;
	s11 =	sor.u32 s20, s4;
	[sflag:s30] =	ssyncset.done $0x0  }
0x10d: {  	p2 =	seq.s32 s11, $0x0;
	[sflag:s30] =	ssyncadd.s32 $0xFFFFE000  }
0x10e: {  	[spmem:s1] =	stream.indirect.scatter.add.f32 [tilespmem:s31], [sflag:$0x4], $0x80, s17, s25, $0xb8;
	[tilespmem:$0x1D400] =	vst v63  }
0x10f: {  	s4 =	simm.s32 @!p2 $0x3  }
0x110: {  	[spmem:s1] =	stream.indirect.scatter.add.f32 [tilespmem:s0], [sflag:$0x6], $0x80, s17, s25, $0xb8;
	[tilespmem:$0x1D400] =	vst v63  }
0x111: {  	_ =	swait.ge @!p2 [sflag:s4], $0x2000  }
0x112: {  	[sflag:s4] =	ssyncset.done @!p2 $0x0  }
0x113: {  	[sflag:s4] =	ssyncadd.s32 @!p2 $0xFFFFE000;
	s4 =	simm.s32 @!p2 $0x5  }
0x114: {  	_ =	swait.ge @!p2 [sflag:s4], $0x2000  }
0x115: {  	s11 =	sshra.s32 s19, $0x2;
	[sflag:s4] =	ssyncset.done @!p2 $0x0  }
0x116: {  	s17 =	sadd.s32 $0x14C00, s11;
	[sflag:s4] =	ssyncadd.s32 @!p2 $0xFFFFE000  }
0x117: {  	[tilespmem:s26], [sflag:$0x1] =	stream.indirect.gather [hbm4b:s5+s25], $0x80, s17, s25, $0xb8;
	[tilespmem:$0x1D400] =	vst v63  }
0x118: {  	s18 =	sadd.s32 $0x14400, s11  }
0x119: {  	[tilespmem:s28], [sflag:$0x2] =	stream.indirect.gather [hbm4b:s7+s25], $0x80, s18, s25, $0xb8;
	[tilespmem:$0x1D400] =	vst v63  }
0x11a: {  	_ =	swait.ge [sflag:s29], $0x2000  }
0x11b: {  	[sflag:s29] =	ssyncset.done $0x0  }
0x11c: {  	[sflag:s29] =	ssyncadd.s32 $0xFFFFE000  }
0x11d: {  	_ =	swait.ge [sflag:s30], $0x2000  }
0x11e: {  	[sflag:s30] =	ssyncset.done $0x0  }
0x11f: {  	s19 =	sadd.s32 $0x13C00, s11;
	[sflag:s30] =	ssyncadd.s32 $0xFFFFE000  }
0x120: {  	[spmem:s1] =	stream.indirect.scatter.add.f32 [tilespmem:s26], [sflag:$0x3], $0x80, s19, s25, $0xb8;
	[tilespmem:$0x1D400] =	vst v63  }
0x121: {  	s16 =	simm.s32 @!p2 $0x4  }
0x122: {  	[spmem:s1] =	stream.indirect.scatter.add.f32 [tilespmem:s28], [sflag:$0x5], $0x80, s19, s25, $0xb8;
	[tilespmem:$0x1D400] =	vst v63  }
0x123: {  	_ =	swait.ge @!p2 [sflag:s16], $0x2000  }
0x124: {  	[sflag:s16] =	ssyncset.done @!p2 $0x0  }
0x125: {  	s4 =	simm.s32 @!p2 $0x6;
	[sflag:s16] =	ssyncadd.s32 @!p2 $0xFFFFE000  }
0x126: {  	_ =	swait.ge @!p2 [sflag:s4], $0x2000  }
0x127: {  	[sflag:s4] =	ssyncset.done @!p2 $0x0  }
0x128: {  	s17 =	sadd.s32 $0x14C80, s11;
	[sflag:s4] =	ssyncadd.s32 @!p2 $0xFFFFE000  }
0x129: {  	[tilespmem:s31], [sflag:$0x1] =	stream.indirect.gather [hbm4b:s5+s25], $0x80, s17, s25, $0xb8;
	[tilespmem:$0x1D400] =	vst v63  }
0x12a: {  	s18 =	sadd.s32 $0x14480, s11  }
0x12b: {  	[tilespmem:s0], [sflag:$0x2] =	stream.indirect.gather [hbm4b:s7+s25], $0x80, s18, s25, $0xb8;
	[tilespmem:$0x1D400] =	vst v63  }
0x12c: {  	_ =	swait.ge [sflag:s29], $0x2000  }
0x12d: {  	[sflag:s29] =	ssyncset.done $0x0  }
0x12e: {  	s20 =	sadd.s32 $0x1, s20;
	[sflag:s29] =	ssyncadd.s32 $0xFFFFE000  }
0x12f: {  	p2 =	sne.s32 s20, $0xA;
	_ =	swait.ge [sflag:s30], $0x2000  }
.Ltmp7:
0x130: {  	[sflag:s30] =	ssyncset.done $0x0;
	(pc) =	sbr.rel @p2 .LBB2_6-.Ltmp7, $4  }
0x131: {  	s19 =	sadd.s32 $0x13C80, s11;
	[sflag:s30] =	ssyncadd.s32 $0xFFFFE000  }
0x132: {  	[spmem:s1] =	stream.indirect.scatter.add.f32 [tilespmem:s31], [sflag:$0x4], $0x80, s19, s25, $0xb8;
	[tilespmem:$0x1D400] =	vst v63  }
0x133: {  	_ = 	snop  }
0x134: {  	[spmem:s1] =	stream.indirect.scatter.add.f32 [tilespmem:s0], [sflag:$0x6], $0x80, s19, s25, $0xb8;
	[tilespmem:$0x1D400] =	vst v63  }
0x135: {  	s4 =	simm.s32 $0x3  }
0x136: {  	_ =	swait.ge [sflag:s4], $0x2000  }
0x137: {  	[sflag:s4] =	ssyncset.done $0x0  }
0x138: {  	s18 =	simm.s32 $0x5;
	[sflag:s4] =	ssyncadd.s32 $0xFFFFE000  }
0x139: {  	_ =	swait.ge [sflag:s18], $0x2000  }
0x13a: {  	[sflag:s18] =	ssyncset.done $0x0  }
0x13b: {  	s19 =	simm.s32 $0x4;
	[sflag:s18] =	ssyncadd.s32 $0xFFFFE000  }
0x13c: {  	_ =	swait.ge [sflag:s19], $0x2000  }
0x13d: {  	[sflag:s19] =	ssyncset.done $0x0  }
0x13e: {  	s20 =	simm.s32 $0x6;
	[sflag:s19] =	ssyncadd.s32 $0xFFFFE000  }
0x13f: {  	_ =	swait.ge [sflag:s20], $0x2000  }
0x140: {  	[sflag:s20] =	ssyncset.done $0x0  }
0x141: {  	[sflag:s20] =	ssyncadd.s32 $0xFFFFE000  }
0x142: {  	s11 =	simm.s32 @p1 $0x100;
	[bflag:$0x0] =	sbarrier.arrive $0xFFFF  }
0x143: {  	s16 =	simm.s32 @p1 $0x80;
	s4 =	simm.s32 @p1 $0x8;
	s17 =	rddreg [dreg:$0x8]  }
0x144: {  	[hbm:s17@s11], [sflag:s14] =	dma.strided @p1 [spmem:s12@s16], $0x2080, s4, $0x10   }
0x145: {  	s4 =	simm.s32 @p1 $0x7  }
0x146: {  	_ =	swait.ge @p1 [sflag:s4], $0x2080  }
0x147: {  	s11 =	simm.s32 @!p1 $0x100;
	s12 =	simm.s32 @!p1 $0x80;
	[sflag:s4] =	ssyncset.done @p1 $0x0  }
0x148: {  	s16 =	rddreg [dreg:$0x7];
	[sflag:s4] =	ssyncadd.s32 @p1 $0xFFFFDF80;
	s4 =	simm.s32 @!p1 $0x8  }
0x149: {  	[hbm:s16@s11], [sflag:s14] =	dma.strided @!p1 [spmem:s13@s12], $0x2780, s4, $0x10   }
.Ltmp8:
0x14a: {  	_ = 	snop;
	(pc) =	sbr.rel .LBB2_10-.Ltmp8, $4  }
0x14b: {  	s4 =	simm.s32 @!p1 $0x7  }
0x14c: {  	_ =	swait.ge @!p1 [sflag:s4], $0x2780  }
0x14d: {  	[sflag:s4] =	ssyncset.done @!p1 $0x0  }
0x14e: {  	[sflag:s4] =	ssyncadd.s32 @!p1 $0xFFFFD880  }
.LBB2_11:
0x14f: {  	_ =	sfence.sel $0x180000  }
0x150: {  	[bflag:$0x0] =	sbarrier.arrive $0xFFFF  }
0x151: {  	_ =	strace $0x90000047  }
0x152: {  	s0 =	stileid.u32;
	[bflag:$0x2] =	sbarrier.arrive $0xFFFF  }
0x153: {  	p0 =	sne.s32 s0, $0x0;
	s0 =	rddreg [dreg:$0x3]  }
0x154: {  	s0 =	sadd.s32 @!p0 $0x100000, s0  }
0x155: {  	[sflag:s0] =	ssyncadd.tile.s32 @!p0 $0x1;
	_ =	shalt  }
.Lfunc_end2:
_tile_overlayer_lowered:
.L_overlay_start_2:
0x156: {  	(tag) =	ssettag $0x2  }
0x157: {  	s0 =	rddreg [dreg:$0x0];
	s2 =	stileid.u32  }
0x158: {  	s1 =	rddreg [dreg:$0x1];
	p0 =	sne.s32 s2, $0x0  }
0x159: {  	s3 =	rddreg [dreg:$0x2];
	[bflag:$0x3] =	sbarrier.arrive $0xFFFF;
	s2 =	simm.s32 @!p0 $0x1C07  }
0x15a: {  	[timem:s3], [sflag:s2] =	dma.local @!p0 [hbm:s0], s1  }
0x15b: {  	s0 =	simm.s32 @!p0 $0x7  }
0x15c: {  	_ =	swait.ge @!p0 [sflag:s0], s1  }
0x15d: {  	s1 =	ssub.s32 @!p0 $0x0, s1;
	[sflag:s0] =	ssyncset.done @!p0 $0x0  }
0x15e: {  	[sflag:s0] =	ssyncadd.s32 @!p0 s1  }
0x15f: {  	[bflag:$0x3] =	sbarrier.arrive $0xFFFF  }
0x160: {  	_ =	shalt  }

</sc_bundles>
